<compile_context>
chip_gen: v7x
topology: tpu7x:2x2x1
jax: 0.10.2.dev20260603
libtpu: 0.0.44.dev20260713+nightly
codegen_flags: <defaults>
</compile_context>

<pallas_src>
import functools

import jax
import jax.numpy as jnp
from jax import lax
from jax.experimental import pallas as pl
from jax.experimental.pallas import tpu as pltpu
from jax.experimental.pallas import tpu_sc as plsc

NUM_Q = 100000
NUM_C = 1000
EMB = 128
B = 1024
L = 200
N = B * L
NC = 2
NS = 16
NW = NC * NS
TOK_PER_W = N // NW
T = 128
CHUNKS = TOK_PER_W // T


def _sc_body(q_hbm, c_hbm, que_hbm, conc_hbm, embq_hbm, embc_hbm,
             qidx, cidx, rows_q, rows_c, embc_v, sem):
    wid = lax.axis_index("s") * NC + lax.axis_index("c")

    def chunk_body(i, carry):
        base = wid * TOK_PER_W + i * T
        pltpu.sync_copy(q_hbm.at[pl.ds(base, T)], qidx)
        pltpu.sync_copy(c_hbm.at[pl.ds(base * 4, T * 4)], cidx)
        pltpu.async_copy(que_hbm.at[qidx], rows_q, sem).wait()
        for j in range(4):
            pltpu.async_copy(conc_hbm.at[cidx.at[pl.ds(j * 128, 128)]],
                             rows_c.at[pl.ds(j * 128, 128)], sem).wait()

        def red_body(t, c2):
            for h in range(EMB // 16):
                s = pl.ds(h * 16, 16)
                v = (rows_c[4 * t, s] + rows_c[4 * t + 1, s]
                     + rows_c[4 * t + 2, s] + rows_c[4 * t + 3, s]) * 0.25
                embc_v[t, s] = v
            return c2
        lax.fori_loop(0, T, red_body, 0)

        pltpu.sync_copy(rows_q, embq_hbm.at[pl.ds(base, T)])
        pltpu.sync_copy(embc_v, embc_hbm.at[pl.ds(base, T)])
        return carry

    lax.fori_loop(0, CHUNKS, chunk_body, 0)


@jax.jit
def _sc_gather(q_flat, c_rows, que_table, concept_emb):
    mesh = plsc.VectorSubcoreMesh(core_axis_name="c", subcore_axis_name="s")
    fn = pl.kernel(
        _sc_body,
        out_type=[jax.ShapeDtypeStruct((N, EMB), jnp.float32),
                  jax.ShapeDtypeStruct((N, EMB), jnp.float32)],
        mesh=mesh,
        scratch_types=[
            pltpu.VMEM((T,), jnp.int32),
            pltpu.VMEM((4 * T,), jnp.int32),
            pltpu.VMEM((T, EMB), jnp.float32),
            pltpu.VMEM((4 * T, EMB), jnp.float32),
            pltpu.VMEM((T, EMB), jnp.float32),
            pltpu.SemaphoreType.DMA,
        ],
    )
    return fn(q_flat, c_rows, que_table, concept_emb)


TB = 512


def _tc_body(q_ref, c_ref, r_ref, w_ref, b_ref, qc_ref, x_ref, qca_ref):
    qc = jnp.concatenate([q_ref[...], c_ref[...]], axis=1)
    qc_ref[...] = qc
    x_ref[...] = jnp.dot(qc, w_ref[...],
                         preferred_element_type=jnp.float32) + b_ref[...]
    rf = r_ref[...]
    qca_ref[...] = jnp.concatenate([qc * (1.0 - rf), qc * rf], axis=1)


@jax.jit
def _tc_merge(emb_q, emb_c, r1, W, b2):
    grid = (N // TB,)
    return pl.pallas_call(
        _tc_body,
        grid=grid,
        in_specs=[
            pl.BlockSpec((TB, EMB), lambda i: (i, 0)),
            pl.BlockSpec((TB, EMB), lambda i: (i, 0)),
            pl.BlockSpec((TB, 1), lambda i: (i, 0)),
            pl.BlockSpec((2 * EMB, EMB), lambda i: (0, 0)),
            pl.BlockSpec((1, EMB), lambda i: (0, 0)),
        ],
        out_specs=[
            pl.BlockSpec((TB, 2 * EMB), lambda i: (i, 0)),
            pl.BlockSpec((TB, EMB), lambda i: (i, 0)),
            pl.BlockSpec((TB, 4 * EMB), lambda i: (i, 0)),
        ],
        out_shape=[
            jax.ShapeDtypeStruct((N, 2 * EMB), jnp.float32),
            jax.ShapeDtypeStruct((N, EMB), jnp.float32),
            jax.ShapeDtypeStruct((N, 4 * EMB), jnp.float32),
        ],
    )(emb_q, emb_c, r1, W, b2)


def kernel(q, c, r, que_table, concept_emb, W, b):
    q_flat = q.reshape(-1).astype(jnp.int32)
    c_rows = c.astype(jnp.int32).reshape(N * 4)
    r1 = r.astype(jnp.float32).reshape(N, 1)
    emb_q, emb_c = _sc_gather(q_flat, c_rows, que_table, concept_emb)
    emb_qc, xemb, emb_qca = _tc_merge(emb_q, emb_c, r1, W, b.reshape(1, EMB))
    return (xemb.reshape(B, L, EMB),
            emb_qca.reshape(B, L, 4 * EMB),
            emb_qc.reshape(B, L, 2 * EMB),
            emb_q.reshape(B, L, EMB),
            emb_c.reshape(B, L, EMB))

# --- scband reference (transcript-rebuilt; emitter-appended) ---
"""Pipeline reference for scband-que-emb-75591424409785 (READ-ONLY COPY).

The authoritative reference and input builder live on the scoring server;
editing this copy changes nothing except your own understanding.
"""

import jax, jax.numpy as jnp
import numpy as np

NUM_Q = 100000
NUM_C = 1000
EMB = 128
B = 1024
L = 200
NCPQ = 4

def setup_inputs(seed: int = 0) -> dict:
    key = jax.random.key(seed)
    k1, k2, k3, k4, k5, k6, k7 = jax.random.split(key, 7)
    q = jax.random.randint(k1, (B, L), 0, NUM_Q)
    c = jax.random.randint(k2, (B, L, NCPQ), 0, NUM_C)
    r = jax.random.randint(k3, (B, L), 0, 2)
    que_table = jax.random.normal(k4, (NUM_Q, EMB), dtype=jnp.float32) * 0.02
    concept_emb = jax.random.normal(k5, (NUM_C, EMB), dtype=jnp.float32)
    W = jax.random.normal(k6, (2 * EMB, EMB), dtype=jnp.float32) * (1.0 / np.sqrt(2 * EMB))
    b = jax.random.normal(k7, (EMB,), dtype=jnp.float32) * 0.01
    return {"q": q, "c": c, "r": r, "que_table": que_table, "concept_emb": concept_emb, "W": W, "b": b}

def _avg_skill_emb(c, concept_emb):
    concept_emb_cat = jnp.concatenate([jnp.zeros((1, EMB), dtype=concept_emb.dtype), concept_emb], axis=0)
    related = (c + 1).astype(jnp.int32)
    concept_emb_sum = jnp.take(concept_emb_cat, related, axis=0).sum(axis=-2)
    concept_num = jnp.where(related != 0, 1, 0).sum(axis=-1, keepdims=True)
    concept_num = jnp.where(concept_num == 0, 1, concept_num)
    return concept_emb_sum / concept_num.astype(concept_emb.dtype)

def reference(q, c, r, que_table, concept_emb, W, b):
    emb_c = _avg_skill_emb(c, concept_emb)
    emb_q = jnp.take(que_table, q, axis=0)
    emb_qc = jnp.concatenate([emb_q, emb_c], axis=-1)
    xemb = emb_qc @ W + b
    r_f = r.astype(jnp.float32)[..., None]
    emb_qca = jnp.concatenate([emb_qc * (1.0 - r_f), emb_qc * r_f], axis=-1)
    return (xemb, emb_qca, emb_qc, emb_q, emb_c)

if __name__ == "__main__":
    import jax
    _d = setup_inputs()
    print(jax.jit(kernel)(*tuple(_d.values())))

</pallas_src>

<mosaic_0001>
#map = affine_map<(d0, d1) -> (0)>
#map1 = affine_map<(d0, d1) -> (0, 0)>
module attributes {stable_mosaic.version = 14 : i64} {
  func.func @_sc_body(%arg0: i32, %arg1: i32, %arg2: memref<204800xi32, #tpu.memory_space<hbm>>, %arg3: memref<819200xi32, #tpu.memory_space<hbm>>, %arg4: memref<100000x128xf32, #tpu.memory_space<hbm>>, %arg5: memref<1000x128xf32, #tpu.memory_space<hbm>>, %arg6: memref<204800x128xf32, #tpu.memory_space<hbm>>, %arg7: memref<204800x128xf32, #tpu.memory_space<hbm>>, %arg8: memref<128xi32, #tpu.memory_space<vmem>>, %arg9: memref<512xi32, #tpu.memory_space<vmem>>, %arg10: memref<128x128xf32, #tpu.memory_space<vmem>>, %arg11: memref<512x128xf32, #tpu.memory_space<vmem>>, %arg12: memref<128x128xf32, #tpu.memory_space<vmem>>, %arg13: memref<!tpu.dma_semaphore, #tpu.memory_space<semaphore_mem>>) attributes {dimension_semantics = [#tpu.dimension_semantics<core_parallel>, #tpu.dimension_semantics<subcore_parallel>], iteration_bounds = array<i64: 2, 16>, scalar_prefetch = 0 : i64, scratch_operands = 6 : i64, tpu.core_type = #tpu.core_type<sc_vector_subcore>, window_params = [{transform_indices = #map}, {transform_indices = #map}, {transform_indices = #map1}, {transform_indices = #map1}, {transform_indices = #map1}, {transform_indices = #map1}]} {
    %mul3A = arith.constant 2 : i32
    %mul3A_0 = arith.muli %arg1, %mul3A : i32
    %add3A = arith.addi %mul3A_0, %arg0 : i32
    %scan3A = arith.constant 0 : i32
    %scan3A_1 = arith.constant 0 : i32
    %scan3A_2 = arith.constant 50 : i32
    %scan3A_3 = arith.addi %scan3A_1, %scan3A_2 : i32
    %scan3A_4 = arith.constant 1 : i32
    scf.for %scan3A_6 = %scan3A_1 to %scan3A_3 step %scan3A_4  : i32 {
      %mul3A_7 = arith.constant 6400 : i32
      %mul3A_8 = arith.muli %add3A, %mul3A_7 : i32
      %mul3A_9 = arith.constant 128 : i32
      %mul3A_10 = arith.muli %scan3A_6, %mul3A_9 : i32
      %add3A_11 = arith.addi %mul3A_8, %mul3A_10 : i32
      "tpu.region"() ({
        %run_scoped3A = tpu.sem_alloc : memref<!tpu.dma_semaphore, #tpu.memory_space<semaphore_mem>>
        %dma_start3A_88 = tpu.memref_slice %arg2[%add3A_11] : memref<204800xi32, #tpu.memory_space<hbm>> -> memref<128xi32, #tpu.memory_space<hbm>>
        %dma_start3A_89 = tpu.memref_slice %arg2[%add3A_11] : memref<204800xi32, #tpu.memory_space<hbm>> -> memref<128xi32, #tpu.memory_space<hbm>>
        tpu.enqueue_dma source(%dma_start3A_89 : memref<128xi32, #tpu.memory_space<hbm>>) target(%arg8 : memref<128xi32, #tpu.memory_space<vmem>>) target_semaphore(%run_scoped3A : memref<!tpu.dma_semaphore, #tpu.memory_space<semaphore_mem>>)
        %dma_wait3A_90 = tpu.memref_slice %arg2[%add3A_11] : memref<204800xi32, #tpu.memory_space<hbm>> -> memref<128xi32, #tpu.memory_space<hbm>>
        %dma_wait3A_91 = tpu.memref_slice %arg2[%add3A_11] : memref<204800xi32, #tpu.memory_space<hbm>> -> memref<128xi32, #tpu.memory_space<hbm>>
        tpu.wait_dma2 semaphore(%run_scoped3A : memref<!tpu.dma_semaphore, #tpu.memory_space<semaphore_mem>>) src(%dma_wait3A_91 : memref<128xi32, #tpu.memory_space<hbm>>) dst(%arg8 : memref<128xi32, #tpu.memory_space<vmem>>)
        tpu.yield
      }) : () -> ()
      %mul3A_12 = arith.constant 4 : i32
      %mul3A_13 = arith.muli %add3A_11, %mul3A_12 : i32
      "tpu.region"() ({
        %run_scoped3A = tpu.sem_alloc : memref<!tpu.dma_semaphore, #tpu.memory_space<semaphore_mem>>
        %dma_start3A_88 = tpu.memref_slice %arg3[%mul3A_13] : memref<819200xi32, #tpu.memory_space<hbm>> -> memref<512xi32, #tpu.memory_space<hbm>>
        %dma_start3A_89 = tpu.memref_slice %arg3[%mul3A_13] : memref<819200xi32, #tpu.memory_space<hbm>> -> memref<512xi32, #tpu.memory_space<hbm>>
        tpu.enqueue_dma source(%dma_start3A_89 : memref<512xi32, #tpu.memory_space<hbm>>) target(%arg9 : memref<512xi32, #tpu.memory_space<vmem>>) target_semaphore(%run_scoped3A : memref<!tpu.dma_semaphore, #tpu.memory_space<semaphore_mem>>)
        %dma_wait3A_90 = tpu.memref_slice %arg3[%mul3A_13] : memref<819200xi32, #tpu.memory_space<hbm>> -> memref<512xi32, #tpu.memory_space<hbm>>
        %dma_wait3A_91 = tpu.memref_slice %arg3[%mul3A_13] : memref<819200xi32, #tpu.memory_space<hbm>> -> memref<512xi32, #tpu.memory_space<hbm>>
        tpu.wait_dma2 semaphore(%run_scoped3A : memref<!tpu.dma_semaphore, #tpu.memory_space<semaphore_mem>>) src(%dma_wait3A_91 : memref<512xi32, #tpu.memory_space<hbm>>) dst(%arg9 : memref<512xi32, #tpu.memory_space<vmem>>)
        tpu.yield
      }) : () -> ()
      %dma_start3A = arith.constant 0 : i32
      %dma_start3A_14 = arith.constant 0 : i32
      %dma_start3A_15 = tpu.memref_slice %arg4[%dma_start3A, %dma_start3A_14] : memref<100000x128xf32, #tpu.memory_space<hbm>> -> memref<100000x128xf32, #tpu.memory_space<hbm>>
      tpu.enqueue_indirect_dma source(%dma_start3A_15 : memref<100000x128xf32, #tpu.memory_space<hbm>>) target(%arg10 : memref<128x128xf32, #tpu.memory_space<vmem>>) offsets(%arg8 : memref<128xi32, #tpu.memory_space<vmem>>) semaphore(%arg13 : memref<!tpu.dma_semaphore, #tpu.memory_space<semaphore_mem>>)
      %dma_wait3A = arith.constant 0 : i32
      %dma_wait3A_16 = arith.constant 0 : i32
      %dma_wait3A_17 = tpu.memref_slice %arg4[%dma_wait3A, %dma_wait3A_16] : memref<100000x128xf32, #tpu.memory_space<hbm>> -> memref<100000x128xf32, #tpu.memory_space<hbm>>
      tpu.wait_indirect_dma semaphore(%arg13 : memref<!tpu.dma_semaphore, #tpu.memory_space<semaphore_mem>>) src(%dma_wait3A_17 : memref<100000x128xf32, #tpu.memory_space<hbm>>) dst(%arg10 : memref<128x128xf32, #tpu.memory_space<vmem>>)
      %dma_start3A_18 = arith.constant 0 : i32
      %dma_start3A_19 = arith.constant 0 : i32
      %dma_start3A_20 = tpu.memref_slice %arg11[%dma_start3A_18, %dma_start3A_19] : memref<512x128xf32, #tpu.memory_space<vmem>> -> memref<128x128xf32, #tpu.memory_space<vmem>>
      %dma_start3A_21 = arith.constant 0 : i32
      %dma_start3A_22 = tpu.memref_slice %arg9[%dma_start3A_21] : memref<512xi32, #tpu.memory_space<vmem>> -> memref<128xi32, #tpu.memory_space<vmem>>
      %dma_start3A_23 = arith.constant 0 : i32
      %dma_start3A_24 = arith.constant 0 : i32
      %dma_start3A_25 = tpu.memref_slice %arg5[%dma_start3A_23, %dma_start3A_24] : memref<1000x128xf32, #tpu.memory_space<hbm>> -> memref<1000x128xf32, #tpu.memory_space<hbm>>
      tpu.enqueue_indirect_dma source(%dma_start3A_25 : memref<1000x128xf32, #tpu.memory_space<hbm>>) target(%dma_start3A_20 : memref<128x128xf32, #tpu.memory_space<vmem>>) offsets(%dma_start3A_22 : memref<128xi32, #tpu.memory_space<vmem>>) semaphore(%arg13 : memref<!tpu.dma_semaphore, #tpu.memory_space<semaphore_mem>>)
      %dma_wait3A_26 = arith.constant 0 : i32
      %dma_wait3A_27 = arith.constant 0 : i32
      %dma_wait3A_28 = tpu.memref_slice %arg11[%dma_wait3A_26, %dma_wait3A_27] : memref<512x128xf32, #tpu.memory_space<vmem>> -> memref<128x128xf32, #tpu.memory_space<vmem>>
      %dma_wait3A_29 = arith.constant 0 : i32
      %dma_wait3A_30 = tpu.memref_slice %arg9[%dma_wait3A_29] : memref<512xi32, #tpu.memory_space<vmem>> -> memref<128xi32, #tpu.memory_space<vmem>>
      %dma_wait3A_31 = arith.constant 0 : i32
      %dma_wait3A_32 = arith.constant 0 : i32
      %dma_wait3A_33 = tpu.memref_slice %arg5[%dma_wait3A_31, %dma_wait3A_32] : memref<1000x128xf32, #tpu.memory_space<hbm>> -> memref<1000x128xf32, #tpu.memory_space<hbm>>
      tpu.wait_indirect_dma semaphore(%arg13 : memref<!tpu.dma_semaphore, #tpu.memory_space<semaphore_mem>>) src(%dma_wait3A_33 : memref<1000x128xf32, #tpu.memory_space<hbm>>) dst(%dma_wait3A_28 : memref<128x128xf32, #tpu.memory_space<vmem>>)
      %dma_start3A_34 = arith.constant 128 : i32
      %dma_start3A_35 = arith.constant 0 : i32
      %dma_start3A_36 = tpu.memref_slice %arg11[%dma_start3A_34, %dma_start3A_35] : memref<512x128xf32, #tpu.memory_space<vmem>> -> memref<128x128xf32, #tpu.memory_space<vmem>>
      %dma_start3A_37 = arith.constant 128 : i32
      %dma_start3A_38 = tpu.memref_slice %arg9[%dma_start3A_37] : memref<512xi32, #tpu.memory_space<vmem>> -> memref<128xi32, #tpu.memory_space<vmem>>
      %dma_start3A_39 = arith.constant 0 : i32
      %dma_start3A_40 = arith.constant 0 : i32
      %dma_start3A_41 = tpu.memref_slice %arg5[%dma_start3A_39, %dma_start3A_40] : memref<1000x128xf32, #tpu.memory_space<hbm>> -> memref<1000x128xf32, #tpu.memory_space<hbm>>
      tpu.enqueue_indirect_dma source(%dma_start3A_41 : memref<1000x128xf32, #tpu.memory_space<hbm>>) target(%dma_start3A_36 : memref<128x128xf32, #tpu.memory_space<vmem>>) offsets(%dma_start3A_38 : memref<128xi32, #tpu.memory_space<vmem>>) semaphore(%arg13 : memref<!tpu.dma_semaphore, #tpu.memory_space<semaphore_mem>>)
      %dma_wait3A_42 = arith.constant 128 : i32
      %dma_wait3A_43 = arith.constant 0 : i32
      %dma_wait3A_44 = tpu.memref_slice %arg11[%dma_wait3A_42, %dma_wait3A_43] : memref<512x128xf32, #tpu.memory_space<vmem>> -> memref<128x128xf32, #tpu.memory_space<vmem>>
      %dma_wait3A_45 = arith.constant 128 : i32
      %dma_wait3A_46 = tpu.memref_slice %arg9[%dma_wait3A_45] : memref<512xi32, #tpu.memory_space<vmem>> -> memref<128xi32, #tpu.memory_space<vmem>>
      %dma_wait3A_47 = arith.constant 0 : i32
      %dma_wait3A_48 = arith.constant 0 : i32
      %dma_wait3A_49 = tpu.memref_slice %arg5[%dma_wait3A_47, %dma_wait3A_48] : memref<1000x128xf32, #tpu.memory_space<hbm>> -> memref<1000x128xf32, #tpu.memory_space<hbm>>
      tpu.wait_indirect_dma semaphore(%arg13 : memref<!tpu.dma_semaphore, #tpu.memory_space<semaphore_mem>>) src(%dma_wait3A_49 : memref<1000x128xf32, #tpu.memory_space<hbm>>) dst(%dma_wait3A_44 : memref<128x128xf32, #tpu.memory_space<vmem>>)
      %dma_start3A_50 = arith.constant 256 : i32
      %dma_start3A_51 = arith.constant 0 : i32
      %dma_start3A_52 = tpu.memref_slice %arg11[%dma_start3A_50, %dma_start3A_51] : memref<512x128xf32, #tpu.memory_space<vmem>> -> memref<128x128xf32, #tpu.memory_space<vmem>>
      %dma_start3A_53 = arith.constant 256 : i32
      %dma_start3A_54 = tpu.memref_slice %arg9[%dma_start3A_53] : memref<512xi32, #tpu.memory_space<vmem>> -> memref<128xi32, #tpu.memory_space<vmem>>
      %dma_start3A_55 = arith.constant 0 : i32
      %dma_start3A_56 = arith.constant 0 : i32
      %dma_start3A_57 = tpu.memref_slice %arg5[%dma_start3A_55, %dma_start3A_56] : memref<1000x128xf32, #tpu.memory_space<hbm>> -> memref<1000x128xf32, #tpu.memory_space<hbm>>
      tpu.enqueue_indirect_dma source(%dma_start3A_57 : memref<1000x128xf32, #tpu.memory_space<hbm>>) target(%dma_start3A_52 : memref<128x128xf32, #tpu.memory_space<vmem>>) offsets(%dma_start3A_54 : memref<128xi32, #tpu.memory_space<vmem>>) semaphore(%arg13 : memref<!tpu.dma_semaphore, #tpu.memory_space<semaphore_mem>>)
      %dma_wait3A_58 = arith.constant 256 : i32
      %dma_wait3A_59 = arith.constant 0 : i32
      %dma_wait3A_60 = tpu.memref_slice %arg11[%dma_wait3A_58, %dma_wait3A_59] : memref<512x128xf32, #tpu.memory_space<vmem>> -> memref<128x128xf32, #tpu.memory_space<vmem>>
      %dma_wait3A_61 = arith.constant 256 : i32
      %dma_wait3A_62 = tpu.memref_slice %arg9[%dma_wait3A_61] : memref<512xi32, #tpu.memory_space<vmem>> -> memref<128xi32, #tpu.memory_space<vmem>>
      %dma_wait3A_63 = arith.constant 0 : i32
      %dma_wait3A_64 = arith.constant 0 : i32
      %dma_wait3A_65 = tpu.memref_slice %arg5[%dma_wait3A_63, %dma_wait3A_64] : memref<1000x128xf32, #tpu.memory_space<hbm>> -> memref<1000x128xf32, #tpu.memory_space<hbm>>
      tpu.wait_indirect_dma semaphore(%arg13 : memref<!tpu.dma_semaphore, #tpu.memory_space<semaphore_mem>>) src(%dma_wait3A_65 : memref<1000x128xf32, #tpu.memory_space<hbm>>) dst(%dma_wait3A_60 : memref<128x128xf32, #tpu.memory_space<vmem>>)
      %dma_start3A_66 = arith.constant 384 : i32
      %dma_start3A_67 = arith.constant 0 : i32
      %dma_start3A_68 = tpu.memref_slice %arg11[%dma_start3A_66, %dma_start3A_67] : memref<512x128xf32, #tpu.memory_space<vmem>> -> memref<128x128xf32, #tpu.memory_space<vmem>>
      %dma_start3A_69 = arith.constant 384 : i32
      %dma_start3A_70 = tpu.memref_slice %arg9[%dma_start3A_69] : memref<512xi32, #tpu.memory_space<vmem>> -> memref<128xi32, #tpu.memory_space<vmem>>
      %dma_start3A_71 = arith.constant 0 : i32
      %dma_start3A_72 = arith.constant 0 : i32
      %dma_start3A_73 = tpu.memref_slice %arg5[%dma_start3A_71, %dma_start3A_72] : memref<1000x128xf32, #tpu.memory_space<hbm>> -> memref<1000x128xf32, #tpu.memory_space<hbm>>
      tpu.enqueue_indirect_dma source(%dma_start3A_73 : memref<1000x128xf32, #tpu.memory_space<hbm>>) target(%dma_start3A_68 : memref<128x128xf32, #tpu.memory_space<vmem>>) offsets(%dma_start3A_70 : memref<128xi32, #tpu.memory_space<vmem>>) semaphore(%arg13 : memref<!tpu.dma_semaphore, #tpu.memory_space<semaphore_mem>>)
      %dma_wait3A_74 = arith.constant 384 : i32
      %dma_wait3A_75 = arith.constant 0 : i32
      %dma_wait3A_76 = tpu.memref_slice %arg11[%dma_wait3A_74, %dma_wait3A_75] : memref<512x128xf32, #tpu.memory_space<vmem>> -> memref<128x128xf32, #tpu.memory_space<vmem>>
      %dma_wait3A_77 = arith.constant 384 : i32
      %dma_wait3A_78 = tpu.memref_slice %arg9[%dma_wait3A_77] : memref<512xi32, #tpu.memory_space<vmem>> -> memref<128xi32, #tpu.memory_space<vmem>>
      %dma_wait3A_79 = arith.constant 0 : i32
      %dma_wait3A_80 = arith.constant 0 : i32
      %dma_wait3A_81 = tpu.memref_slice %arg5[%dma_wait3A_79, %dma_wait3A_80] : memref<1000x128xf32, #tpu.memory_space<hbm>> -> memref<1000x128xf32, #tpu.memory_space<hbm>>
      tpu.wait_indirect_dma semaphore(%arg13 : memref<!tpu.dma_semaphore, #tpu.memory_space<semaphore_mem>>) src(%dma_wait3A_81 : memref<1000x128xf32, #tpu.memory_space<hbm>>) dst(%dma_wait3A_76 : memref<128x128xf32, #tpu.memory_space<vmem>>)
      %scan3A_82 = arith.constant 0 : i32
      %scan3A_83 = arith.constant 0 : i32
      %scan3A_84 = arith.constant 128 : i32
      %scan3A_85 = arith.addi %scan3A_83, %scan3A_84 : i32
      %scan3A_86 = arith.constant 1 : i32
      scf.for %scan3A_88 = %scan3A_83 to %scan3A_85 step %scan3A_86  : i32 {
        %mul3A_89 = arith.constant 4 : i32
        %mul3A_90 = arith.muli %mul3A_89, %scan3A_88 : i32
        %get3A = arith.index_cast %mul3A_90 : i32 to index
        %get3A_91 = arith.constant 0 : index
        %get3A_92 = tpu.vector_load %arg11[%get3A, %get3A_91] {strides = array<i32>} : memref<512x128xf32, #tpu.memory_space<vmem>>, vector<1x16xf32>,
        %get3A_93 = vector.shape_cast %get3A_92 : vector<1x16xf32> to vector<16xf32>
        %mul3A_94 = arith.constant 4 : i32
        %mul3A_95 = arith.muli %mul3A_94, %scan3A_88 : i32
        %add3A_96 = arith.constant 1 : i32
        %add3A_97 = arith.addi %mul3A_95, %add3A_96 : i32
        %get3A_98 = arith.index_cast %add3A_97 : i32 to index
        %get3A_99 = arith.constant 0 : index
        %get3A_100 = tpu.vector_load %arg11[%get3A_98, %get3A_99] {strides = array<i32>} : memref<512x128xf32, #tpu.memory_space<vmem>>, vector<1x16xf32>,
        %get3A_101 = vector.shape_cast %get3A_100 : vector<1x16xf32> to vector<16xf32>
        %add3A_102 = arith.addf %get3A_93, %get3A_101 : vector<16xf32>
        %mul3A_103 = arith.constant 4 : i32
        %mul3A_104 = arith.muli %mul3A_103, %scan3A_88 : i32
        %add3A_105 = arith.constant 2 : i32
        %add3A_106 = arith.addi %mul3A_104, %add3A_105 : i32
        %get3A_107 = arith.index_cast %add3A_106 : i32 to index
        %get3A_108 = arith.constant 0 : index
        %get3A_109 = tpu.vector_load %arg11[%get3A_107, %get3A_108] {strides = array<i32>} : memref<512x128xf32, #tpu.memory_space<vmem>>, vector<1x16xf32>,
        %get3A_110 = vector.shape_cast %get3A_109 : vector<1x16xf32> to vector<16xf32>
        %add3A_111 = arith.addf %add3A_102, %get3A_110 : vector<16xf32>
        %mul3A_112 = arith.constant 4 : i32
        %mul3A_113 = arith.muli %mul3A_112, %scan3A_88 : i32
        %add3A_114 = arith.constant 3 : i32
        %add3A_115 = arith.addi %mul3A_113, %add3A_114 : i32
        %get3A_116 = arith.index_cast %add3A_115 : i32 to index
        %get3A_117 = arith.constant 0 : index
        %get3A_118 = tpu.vector_load %arg11[%get3A_116, %get3A_117] {strides = array<i32>} : memref<512x128xf32, #tpu.memory_space<vmem>>, vector<1x16xf32>,
        %get3A_119 = vector.shape_cast %get3A_118 : vector<1x16xf32> to vector<16xf32>
        %add3A_120 = arith.addf %add3A_111, %get3A_119 : vector<16xf32>
        %mul3A_121 = arith.constant 2.500000e-01 : f32
        %mul3A_122 = vector.broadcast %mul3A_121 : f32 to vector<16xf32>
        %mul3A_123 = arith.mulf %add3A_120, %mul3A_122 : vector<16xf32>
        %swap3A = arith.index_cast %scan3A_88 : i32 to index
        %swap3A_124 = arith.constant 0 : index
        %swap3A_125 = tpu.vector_load %arg12[%swap3A, %swap3A_124] {strides = array<i32>} : memref<128x128xf32, #tpu.memory_space<vmem>>, vector<1x16xf32>,
        %swap3A_126 = vector.shape_cast %swap3A_125 : vector<1x16xf32> to vector<16xf32>
        %swap3A_127 = vector.shape_cast %mul3A_123 : vector<16xf32> to vector<1x16xf32>
        tpu.vector_store %arg12[%swap3A, %swap3A_124], %swap3A_127 {strides = array<i32>} : memref<128x128xf32, #tpu.memory_space<vmem>>, vector<1x16xf32>,
        %mul3A_128 = arith.constant 4 : i32
        %mul3A_129 = arith.muli %mul3A_128, %scan3A_88 : i32
        %get3A_130 = arith.index_cast %mul3A_129 : i32 to index
        %get3A_131 = arith.constant 16 : index
        %get3A_132 = tpu.vector_load %arg11[%get3A_130, %get3A_131] {strides = array<i32>} : memref<512x128xf32, #tpu.memory_space<vmem>>, vector<1x16xf32>,
        %get3A_133 = vector.shape_cast %get3A_132 : vector<1x16xf32> to vector<16xf32>
        %mul3A_134 = arith.constant 4 : i32
        %mul3A_135 = arith.muli %mul3A_134, %scan3A_88 : i32
        %add3A_136 = arith.constant 1 : i32
        %add3A_137 = arith.addi %mul3A_135, %add3A_136 : i32
        %get3A_138 = arith.index_cast %add3A_137 : i32 to index
        %get3A_139 = arith.constant 16 : index
        %get3A_140 = tpu.vector_load %arg11[%get3A_138, %get3A_139] {strides = array<i32>} : memref<512x128xf32, #tpu.memory_space<vmem>>, vector<1x16xf32>,
        %get3A_141 = vector.shape_cast %get3A_140 : vector<1x16xf32> to vector<16xf32>
        %add3A_142 = arith.addf %get3A_133, %get3A_141 : vector<16xf32>
        %mul3A_143 = arith.constant 4 : i32
        %mul3A_144 = arith.muli %mul3A_143, %scan3A_88 : i32
        %add3A_145 = arith.constant 2 : i32
        %add3A_146 = arith.addi %mul3A_144, %add3A_145 : i32
        %get3A_147 = arith.index_cast %add3A_146 : i32 to index
        %get3A_148 = arith.constant 16 : index
        %get3A_149 = tpu.vector_load %arg11[%get3A_147, %get3A_148] {strides = array<i32>} : memref<512x128xf32, #tpu.memory_space<vmem>>, vector<1x16xf32>,
        %get3A_150 = vector.shape_cast %get3A_149 : vector<1x16xf32> to vector<16xf32>
        %add3A_151 = arith.addf %add3A_142, %get3A_150 : vector<16xf32>
        %mul3A_152 = arith.constant 4 : i32
        %mul3A_153 = arith.muli %mul3A_152, %scan3A_88 : i32
        %add3A_154 = arith.constant 3 : i32
        %add3A_155 = arith.addi %mul3A_153, %add3A_154 : i32
        %get3A_156 = arith.index_cast %add3A_155 : i32 to index
        %get3A_157 = arith.constant 16 : index
        %get3A_158 = tpu.vector_load %arg11[%get3A_156, %get3A_157] {strides = array<i32>} : memref<512x128xf32, #tpu.memory_space<vmem>>, vector<1x16xf32>,
        %get3A_159 = vector.shape_cast %get3A_158 : vector<1x16xf32> to vector<16xf32>
        %add3A_160 = arith.addf %add3A_151, %get3A_159 : vector<16xf32>
        %mul3A_161 = arith.constant 2.500000e-01 : f32
        %mul3A_162 = vector.broadcast %mul3A_161 : f32 to vector<16xf32>
        %mul3A_163 = arith.mulf %add3A_160, %mul3A_162 : vector<16xf32>
        %swap3A_164 = arith.index_cast %scan3A_88 : i32 to index
        %swap3A_165 = arith.constant 16 : index
        %swap3A_166 = tpu.vector_load %arg12[%swap3A_164, %swap3A_165] {strides = array<i32>} : memref<128x128xf32, #tpu.memory_space<vmem>>, vector<1x16xf32>,
        %swap3A_167 = vector.shape_cast %swap3A_166 : vector<1x16xf32> to vector<16xf32>
        %swap3A_168 = vector.shape_cast %mul3A_163 : vector<16xf32> to vector<1x16xf32>
        tpu.vector_store %arg12[%swap3A_164, %swap3A_165], %swap3A_168 {strides = array<i32>} : memref<128x128xf32, #tpu.memory_space<vmem>>, vector<1x16xf32>,
        %mul3A_169 = arith.constant 4 : i32
        %mul3A_170 = arith.muli %mul3A_169, %scan3A_88 : i32
        %get3A_171 = arith.index_cast %mul3A_170 : i32 to index
        %get3A_172 = arith.constant 32 : index
        %get3A_173 = tpu.vector_load %arg11[%get3A_171, %get3A_172] {strides = array<i32>} : memref<512x128xf32, #tpu.memory_space<vmem>>, vector<1x16xf32>,
        %get3A_174 = vector.shape_cast %get3A_173 : vector<1x16xf32> to vector<16xf32>
        %mul3A_175 = arith.constant 4 : i32
        %mul3A_176 = arith.muli %mul3A_175, %scan3A_88 : i32
        %add3A_177 = arith.constant 1 : i32
        %add3A_178 = arith.addi %mul3A_176, %add3A_177 : i32
        %get3A_179 = arith.index_cast %add3A_178 : i32 to index
        %get3A_180 = arith.constant 32 : index
        %get3A_181 = tpu.vector_load %arg11[%get3A_179, %get3A_180] {strides = array<i32>} : memref<512x128xf32, #tpu.memory_space<vmem>>, vector<1x16xf32>,
        %get3A_182 = vector.shape_cast %get3A_181 : vector<1x16xf32> to vector<16xf32>
        %add3A_183 = arith.addf %get3A_174, %get3A_182 : vector<16xf32>
        %mul3A_184 = arith.constant 4 : i32
        %mul3A_185 = arith.muli %mul3A_184, %scan3A_88 : i32
        %add3A_186 = arith.constant 2 : i32
        %add3A_187 = arith.addi %mul3A_185, %add3A_186 : i32
        %get3A_188 = arith.index_cast %add3A_187 : i32 to index
        %get3A_189 = arith.constant 32 : index
        %get3A_190 = tpu.vector_load %arg11[%get3A_188, %get3A_189] {strides = array<i32>} : memref<512x128xf32, #tpu.memory_space<vmem>>, vector<1x16xf32>,
        %get3A_191 = vector.shape_cast %get3A_190 : vector<1x16xf32> to vector<16xf32>
        %add3A_192 = arith.addf %add3A_183, %get3A_191 : vector<16xf32>
        %mul3A_193 = arith.constant 4 : i32
        %mul3A_194 = arith.muli %mul3A_193, %scan3A_88 : i32
        %add3A_195 = arith.constant 3 : i32
        %add3A_196 = arith.addi %mul3A_194, %add3A_195 : i32
        %get3A_197 = arith.index_cast %add3A_196 : i32 to index
        %get3A_198 = arith.constant 32 : index
        %get3A_199 = tpu.vector_load %arg11[%get3A_197, %get3A_198] {strides = array<i32>} : memref<512x128xf32, #tpu.memory_space<vmem>>, vector<1x16xf32>,
        %get3A_200 = vector.shape_cast %get3A_199 : vector<1x16xf32> to vector<16xf32>
        %add3A_201 = arith.addf %add3A_192, %get3A_200 : vector<16xf32>
        %mul3A_202 = arith.constant 2.500000e-01 : f32
        %mul3A_203 = vector.broadcast %mul3A_202 : f32 to vector<16xf32>
        %mul3A_204 = arith.mulf %add3A_201, %mul3A_203 : vector<16xf32>
        %swap3A_205 = arith.index_cast %scan3A_88 : i32 to index
        %swap3A_206 = arith.constant 32 : index
        %swap3A_207 = tpu.vector_load %arg12[%swap3A_205, %swap3A_206] {strides = array<i32>} : memref<128x128xf32, #tpu.memory_space<vmem>>, vector<1x16xf32>,
        %swap3A_208 = vector.shape_cast %swap3A_207 : vector<1x16xf32> to vector<16xf32>
        %swap3A_209 = vector.shape_cast %mul3A_204 : vector<16xf32> to vector<1x16xf32>
        tpu.vector_store %arg12[%swap3A_205, %swap3A_206], %swap3A_209 {strides = array<i32>} : memref<128x128xf32, #tpu.memory_space<vmem>>, vector<1x16xf32>,
        %mul3A_210 = arith.constant 4 : i32
        %mul3A_211 = arith.muli %mul3A_210, %scan3A_88 : i32
        %get3A_212 = arith.index_cast %mul3A_211 : i32 to index
        %get3A_213 = arith.constant 48 : index
        %get3A_214 = tpu.vector_load %arg11[%get3A_212, %get3A_213] {strides = array<i32>} : memref<512x128xf32, #tpu.memory_space<vmem>>, vector<1x16xf32>,
        %get3A_215 = vector.shape_cast %get3A_214 : vector<1x16xf32> to vector<16xf32>
        %mul3A_216 = arith.constant 4 : i32
        %mul3A_217 = arith.muli %mul3A_216, %scan3A_88 : i32
        %add3A_218 = arith.constant 1 : i32
        %add3A_219 = arith.addi %mul3A_217, %add3A_218 : i32
        %get3A_220 = arith.index_cast %add3A_219 : i32 to index
        %get3A_221 = arith.constant 48 : index
        %get3A_222 = tpu.vector_load %arg11[%get3A_220, %get3A_221] {strides = array<i32>} : memref<512x128xf32, #tpu.memory_space<vmem>>, vector<1x16xf32>,
        %get3A_223 = vector.shape_cast %get3A_222 : vector<1x16xf32> to vector<16xf32>
        %add3A_224 = arith.addf %get3A_215, %get3A_223 : vector<16xf32>
        %mul3A_225 = arith.constant 4 : i32
        %mul3A_226 = arith.muli %mul3A_225, %scan3A_88 : i32
        %add3A_227 = arith.constant 2 : i32
        %add3A_228 = arith.addi %mul3A_226, %add3A_227 : i32
        %get3A_229 = arith.index_cast %add3A_228 : i32 to index
        %get3A_230 = arith.constant 48 : index
        %get3A_231 = tpu.vector_load %arg11[%get3A_229, %get3A_230] {strides = array<i32>} : memref<512x128xf32, #tpu.memory_space<vmem>>, vector<1x16xf32>,
        %get3A_232 = vector.shape_cast %get3A_231 : vector<1x16xf32> to vector<16xf32>
        %add3A_233 = arith.addf %add3A_224, %get3A_232 : vector<16xf32>
        %mul3A_234 = arith.constant 4 : i32
        %mul3A_235 = arith.muli %mul3A_234, %scan3A_88 : i32
        %add3A_236 = arith.constant 3 : i32
        %add3A_237 = arith.addi %mul3A_235, %add3A_236 : i32
        %get3A_238 = arith.index_cast %add3A_237 : i32 to index
        %get3A_239 = arith.constant 48 : index
        %get3A_240 = tpu.vector_load %arg11[%get3A_238, %get3A_239] {strides = array<i32>} : memref<512x128xf32, #tpu.memory_space<vmem>>, vector<1x16xf32>,
        %get3A_241 = vector.shape_cast %get3A_240 : vector<1x16xf32> to vector<16xf32>
        %add3A_242 = arith.addf %add3A_233, %get3A_241 : vector<16xf32>
        %mul3A_243 = arith.constant 2.500000e-01 : f32
        %mul3A_244 = vector.broadcast %mul3A_243 : f32 to vector<16xf32>
        %mul3A_245 = arith.mulf %add3A_242, %mul3A_244 : vector<16xf32>
        %swap3A_246 = arith.index_cast %scan3A_88 : i32 to index
        %swap3A_247 = arith.constant 48 : index
        %swap3A_248 = tpu.vector_load %arg12[%swap3A_246, %swap3A_247] {strides = array<i32>} : memref<128x128xf32, #tpu.memory_space<vmem>>, vector<1x16xf32>,
        %swap3A_249 = vector.shape_cast %swap3A_248 : vector<1x16xf32> to vector<16xf32>
        %swap3A_250 = vector.shape_cast %mul3A_245 : vector<16xf32> to vector<1x16xf32>
        tpu.vector_store %arg12[%swap3A_246, %swap3A_247], %swap3A_250 {strides = array<i32>} : memref<128x128xf32, #tpu.memory_space<vmem>>, vector<1x16xf32>,
        %mul3A_251 = arith.constant 4 : i32
        %mul3A_252 = arith.muli %mul3A_251, %scan3A_88 : i32
        %get3A_253 = arith.index_cast %mul3A_252 : i32 to index
        %get3A_254 = arith.constant 64 : index
        %get3A_255 = tpu.vector_load %arg11[%get3A_253, %get3A_254] {strides = array<i32>} : memref<512x128xf32, #tpu.memory_space<vmem>>, vector<1x16xf32>,
        %get3A_256 = vector.shape_cast %get3A_255 : vector<1x16xf32> to vector<16xf32>
        %mul3A_257 = arith.constant 4 : i32
        %mul3A_258 = arith.muli %mul3A_257, %scan3A_88 : i32
        %add3A_259 = arith.constant 1 : i32
        %add3A_260 = arith.addi %mul3A_258, %add3A_259 : i32
        %get3A_261 = arith.index_cast %add3A_260 : i32 to index
        %get3A_262 = arith.constant 64 : index
        %get3A_263 = tpu.vector_load %arg11[%get3A_261, %get3A_262] {strides = array<i32>} : memref<512x128xf32, #tpu.memory_space<vmem>>, vector<1x16xf32>,
        %get3A_264 = vector.shape_cast %get3A_263 : vector<1x16xf32> to vector<16xf32>
        %add3A_265 = arith.addf %get3A_256, %get3A_264 : vector<16xf32>
        %mul3A_266 = arith.constant 4 : i32
        %mul3A_267 = arith.muli %mul3A_266, %scan3A_88 : i32
        %add3A_268 = arith.constant 2 : i32
        %add3A_269 = arith.addi %mul3A_267, %add3A_268 : i32
        %get3A_270 = arith.index_cast %add3A_269 : i32 to index
        %get3A_271 = arith.constant 64 : index
        %get3A_272 = tpu.vector_load %arg11[%get3A_270, %get3A_271] {strides = array<i32>} : memref<512x128xf32, #tpu.memory_space<vmem>>, vector<1x16xf32>,
        %get3A_273 = vector.shape_cast %get3A_272 : vector<1x16xf32> to vector<16xf32>
        %add3A_274 = arith.addf %add3A_265, %get3A_273 : vector<16xf32>
        %mul3A_275 = arith.constant 4 : i32
        %mul3A_276 = arith.muli %mul3A_275, %scan3A_88 : i32
        %add3A_277 = arith.constant 3 : i32
        %add3A_278 = arith.addi %mul3A_276, %add3A_277 : i32
        %get3A_279 = arith.index_cast %add3A_278 : i32 to index
        %get3A_280 = arith.constant 64 : index
        %get3A_281 = tpu.vector_load %arg11[%get3A_279, %get3A_280] {strides = array<i32>} : memref<512x128xf32, #tpu.memory_space<vmem>>, vector<1x16xf32>,
        %get3A_282 = vector.shape_cast %get3A_281 : vector<1x16xf32> to vector<16xf32>
        %add3A_283 = arith.addf %add3A_274, %get3A_282 : vector<16xf32>
        %mul3A_284 = arith.constant 2.500000e-01 : f32
        %mul3A_285 = vector.broadcast %mul3A_284 : f32 to vector<16xf32>
        %mul3A_286 = arith.mulf %add3A_283, %mul3A_285 : vector<16xf32>
        %swap3A_287 = arith.index_cast %scan3A_88 : i32 to index
        %swap3A_288 = arith.constant 64 : index
        %swap3A_289 = tpu.vector_load %arg12[%swap3A_287, %swap3A_288] {strides = array<i32>} : memref<128x128xf32, #tpu.memory_space<vmem>>, vector<1x16xf32>,
        %swap3A_290 = vector.shape_cast %swap3A_289 : vector<1x16xf32> to vector<16xf32>
        %swap3A_291 = vector.shape_cast %mul3A_286 : vector<16xf32> to vector<1x16xf32>
        tpu.vector_store %arg12[%swap3A_287, %swap3A_288], %swap3A_291 {strides = array<i32>} : memref<128x128xf32, #tpu.memory_space<vmem>>, vector<1x16xf32>,
        %mul3A_292 = arith.constant 4 : i32
        %mul3A_293 = arith.muli %mul3A_292, %scan3A_88 : i32
        %get3A_294 = arith.index_cast %mul3A_293 : i32 to index
        %get3A_295 = arith.constant 80 : index
        %get3A_296 = tpu.vector_load %arg11[%get3A_294, %get3A_295] {strides = array<i32>} : memref<512x128xf32, #tpu.memory_space<vmem>>, vector<1x16xf32>,
        %get3A_297 = vector.shape_cast %get3A_296 : vector<1x16xf32> to vector<16xf32>
        %mul3A_298 = arith.constant 4 : i32
        %mul3A_299 = arith.muli %mul3A_298, %scan3A_88 : i32
        %add3A_300 = arith.constant 1 : i32
        %add3A_301 = arith.addi %mul3A_299, %add3A_300 : i32
        %get3A_302 = arith.index_cast %add3A_301 : i32 to index
        %get3A_303 = arith.constant 80 : index
        %get3A_304 = tpu.vector_load %arg11[%get3A_302, %get3A_303] {strides = array<i32>} : memref<512x128xf32, #tpu.memory_space<vmem>>, vector<1x16xf32>,
        %get3A_305 = vector.shape_cast %get3A_304 : vector<1x16xf32> to vector<16xf32>
        %add3A_306 = arith.addf %get3A_297, %get3A_305 : vector<16xf32>
        %mul3A_307 = arith.constant 4 : i32
        %mul3A_308 = arith.muli %mul3A_307, %scan3A_88 : i32
        %add3A_309 = arith.constant 2 : i32
        %add3A_310 = arith.addi %mul3A_308, %add3A_309 : i32
        %get3A_311 = arith.index_cast %add3A_310 : i32 to index
        %get3A_312 = arith.constant 80 : index
        %get3A_313 = tpu.vector_load %arg11[%get3A_311, %get3A_312] {strides = array<i32>} : memref<512x128xf32, #tpu.memory_space<vmem>>, vector<1x16xf32>,
        %get3A_314 = vector.shape_cast %get3A_313 : vector<1x16xf32> to vector<16xf32>
        %add3A_315 = arith.addf %add3A_306, %get3A_314 : vector<16xf32>
        %mul3A_316 = arith.constant 4 : i32
        %mul3A_317 = arith.muli %mul3A_316, %scan3A_88 : i32
        %add3A_318 = arith.constant 3 : i32
        %add3A_319 = arith.addi %mul3A_317, %add3A_318 : i32
        %get3A_320 = arith.index_cast %add3A_319 : i32 to index
        %get3A_321 = arith.constant 80 : index
        %get3A_322 = tpu.vector_load %arg11[%get3A_320, %get3A_321] {strides = array<i32>} : memref<512x128xf32, #tpu.memory_space<vmem>>, vector<1x16xf32>,
        %get3A_323 = vector.shape_cast %get3A_322 : vector<1x16xf32> to vector<16xf32>
        %add3A_324 = arith.addf %add3A_315, %get3A_323 : vector<16xf32>
        %mul3A_325 = arith.constant 2.500000e-01 : f32
        %mul3A_326 = vector.broadcast %mul3A_325 : f32 to vector<16xf32>
        %mul3A_327 = arith.mulf %add3A_324, %mul3A_326 : vector<16xf32>
        %swap3A_328 = arith.index_cast %scan3A_88 : i32 to index
        %swap3A_329 = arith.constant 80 : index
        %swap3A_330 = tpu.vector_load %arg12[%swap3A_328, %swap3A_329] {strides = array<i32>} : memref<128x128xf32, #tpu.memory_space<vmem>>, vector<1x16xf32>,
        %swap3A_331 = vector.shape_cast %swap3A_330 : vector<1x16xf32> to vector<16xf32>
        %swap3A_332 = vector.shape_cast %mul3A_327 : vector<16xf32> to vector<1x16xf32>
        tpu.vector_store %arg12[%swap3A_328, %swap3A_329], %swap3A_332 {strides = array<i32>} : memref<128x128xf32, #tpu.memory_space<vmem>>, vector<1x16xf32>,
        %mul3A_333 = arith.constant 4 : i32
        %mul3A_334 = arith.muli %mul3A_333, %scan3A_88 : i32
        %get3A_335 = arith.index_cast %mul3A_334 : i32 to index
        %get3A_336 = arith.constant 96 : index
        %get3A_337 = tpu.vector_load %arg11[%get3A_335, %get3A_336] {strides = array<i32>} : memref<512x128xf32, #tpu.memory_space<vmem>>, vector<1x16xf32>,
        %get3A_338 = vector.shape_cast %get3A_337 : vector<1x16xf32> to vector<16xf32>
        %mul3A_339 = arith.constant 4 : i32
        %mul3A_340 = arith.muli %mul3A_339, %scan3A_88 : i32
        %add3A_341 = arith.constant 1 : i32
        %add3A_342 = arith.addi %mul3A_340, %add3A_341 : i32
        %get3A_343 = arith.index_cast %add3A_342 : i32 to index
        %get3A_344 = arith.constant 96 : index
        %get3A_345 = tpu.vector_load %arg11[%get3A_343, %get3A_344] {strides = array<i32>} : memref<512x128xf32, #tpu.memory_space<vmem>>, vector<1x16xf32>,
        %get3A_346 = vector.shape_cast %get3A_345 : vector<1x16xf32> to vector<16xf32>
        %add3A_347 = arith.addf %get3A_338, %get3A_346 : vector<16xf32>
        %mul3A_348 = arith.constant 4 : i32
        %mul3A_349 = arith.muli %mul3A_348, %scan3A_88 : i32
        %add3A_350 = arith.constant 2 : i32
        %add3A_351 = arith.addi %mul3A_349, %add3A_350 : i32
        %get3A_352 = arith.index_cast %add3A_351 : i32 to index
        %get3A_353 = arith.constant 96 : index
        %get3A_354 = tpu.vector_load %arg11[%get3A_352, %get3A_353] {strides = array<i32>} : memref<512x128xf32, #tpu.memory_space<vmem>>, vector<1x16xf32>,
        %get3A_355 = vector.shape_cast %get3A_354 : vector<1x16xf32> to vector<16xf32>
        %add3A_356 = arith.addf %add3A_347, %get3A_355 : vector<16xf32>
        %mul3A_357 = arith.constant 4 : i32
        %mul3A_358 = arith.muli %mul3A_357, %scan3A_88 : i32
        %add3A_359 = arith.constant 3 : i32
        %add3A_360 = arith.addi %mul3A_358, %add3A_359 : i32
        %get3A_361 = arith.index_cast %add3A_360 : i32 to index
        %get3A_362 = arith.constant 96 : index
        %get3A_363 = tpu.vector_load %arg11[%get3A_361, %get3A_362] {strides = array<i32>} : memref<512x128xf32, #tpu.memory_space<vmem>>, vector<1x16xf32>,
        %get3A_364 = vector.shape_cast %get3A_363 : vector<1x16xf32> to vector<16xf32>
        %add3A_365 = arith.addf %add3A_356, %get3A_364 : vector<16xf32>
        %mul3A_366 = arith.constant 2.500000e-01 : f32
        %mul3A_367 = vector.broadcast %mul3A_366 : f32 to vector<16xf32>
        %mul3A_368 = arith.mulf %add3A_365, %mul3A_367 : vector<16xf32>
        %swap3A_369 = arith.index_cast %scan3A_88 : i32 to index
        %swap3A_370 = arith.constant 96 : index
        %swap3A_371 = tpu.vector_load %arg12[%swap3A_369, %swap3A_370] {strides = array<i32>} : memref<128x128xf32, #tpu.memory_space<vmem>>, vector<1x16xf32>,
        %swap3A_372 = vector.shape_cast %swap3A_371 : vector<1x16xf32> to vector<16xf32>
        %swap3A_373 = vector.shape_cast %mul3A_368 : vector<16xf32> to vector<1x16xf32>
        tpu.vector_store %arg12[%swap3A_369, %swap3A_370], %swap3A_373 {strides = array<i32>} : memref<128x128xf32, #tpu.memory_space<vmem>>, vector<1x16xf32>,
        %mul3A_374 = arith.constant 4 : i32
        %mul3A_375 = arith.muli %mul3A_374, %scan3A_88 : i32
        %get3A_376 = arith.index_cast %mul3A_375 : i32 to index
        %get3A_377 = arith.constant 112 : index
        %get3A_378 = tpu.vector_load %arg11[%get3A_376, %get3A_377] {strides = array<i32>} : memref<512x128xf32, #tpu.memory_space<vmem>>, vector<1x16xf32>,
        %get3A_379 = vector.shape_cast %get3A_378 : vector<1x16xf32> to vector<16xf32>
        %mul3A_380 = arith.constant 4 : i32
        %mul3A_381 = arith.muli %mul3A_380, %scan3A_88 : i32
        %add3A_382 = arith.constant 1 : i32
        %add3A_383 = arith.addi %mul3A_381, %add3A_382 : i32
        %get3A_384 = arith.index_cast %add3A_383 : i32 to index
        %get3A_385 = arith.constant 112 : index
        %get3A_386 = tpu.vector_load %arg11[%get3A_384, %get3A_385] {strides = array<i32>} : memref<512x128xf32, #tpu.memory_space<vmem>>, vector<1x16xf32>,
        %get3A_387 = vector.shape_cast %get3A_386 : vector<1x16xf32> to vector<16xf32>
        %add3A_388 = arith.addf %get3A_379, %get3A_387 : vector<16xf32>
        %mul3A_389 = arith.constant 4 : i32
        %mul3A_390 = arith.muli %mul3A_389, %scan3A_88 : i32
        %add3A_391 = arith.constant 2 : i32
        %add3A_392 = arith.addi %mul3A_390, %add3A_391 : i32
        %get3A_393 = arith.index_cast %add3A_392 : i32 to index
        %get3A_394 = arith.constant 112 : index
        %get3A_395 = tpu.vector_load %arg11[%get3A_393, %get3A_394] {strides = array<i32>} : memref<512x128xf32, #tpu.memory_space<vmem>>, vector<1x16xf32>,
        %get3A_396 = vector.shape_cast %get3A_395 : vector<1x16xf32> to vector<16xf32>
        %add3A_397 = arith.addf %add3A_388, %get3A_396 : vector<16xf32>
        %mul3A_398 = arith.constant 4 : i32
        %mul3A_399 = arith.muli %mul3A_398, %scan3A_88 : i32
        %add3A_400 = arith.constant 3 : i32
        %add3A_401 = arith.addi %mul3A_399, %add3A_400 : i32
        %get3A_402 = arith.index_cast %add3A_401 : i32 to index
        %get3A_403 = arith.constant 112 : index
        %get3A_404 = tpu.vector_load %arg11[%get3A_402, %get3A_403] {strides = array<i32>} : memref<512x128xf32, #tpu.memory_space<vmem>>, vector<1x16xf32>,
        %get3A_405 = vector.shape_cast %get3A_404 : vector<1x16xf32> to vector<16xf32>
        %add3A_406 = arith.addf %add3A_397, %get3A_405 : vector<16xf32>
        %mul3A_407 = arith.constant 2.500000e-01 : f32
        %mul3A_408 = vector.broadcast %mul3A_407 : f32 to vector<16xf32>
        %mul3A_409 = arith.mulf %add3A_406, %mul3A_408 : vector<16xf32>
        %swap3A_410 = arith.index_cast %scan3A_88 : i32 to index
        %swap3A_411 = arith.constant 112 : index
        %swap3A_412 = tpu.vector_load %arg12[%swap3A_410, %swap3A_411] {strides = array<i32>} : memref<128x128xf32, #tpu.memory_space<vmem>>, vector<1x16xf32>,
        %swap3A_413 = vector.shape_cast %swap3A_412 : vector<1x16xf32> to vector<16xf32>
        %swap3A_414 = vector.shape_cast %mul3A_409 : vector<16xf32> to vector<1x16xf32>
        tpu.vector_store %arg12[%swap3A_410, %swap3A_411], %swap3A_414 {strides = array<i32>} : memref<128x128xf32, #tpu.memory_space<vmem>>, vector<1x16xf32>,
      }
      %scan3A_87 = arith.constant 128 : i32
      "tpu.region"() ({
        %run_scoped3A = tpu.sem_alloc : memref<!tpu.dma_semaphore, #tpu.memory_space<semaphore_mem>>
        %dma_start3A_88 = arith.constant 0 : i32
        %dma_start3A_89 = tpu.memref_slice %arg6[%add3A_11, %dma_start3A_88] : memref<204800x128xf32, #tpu.memory_space<hbm>> -> memref<128x128xf32, #tpu.memory_space<hbm>>
        %dma_start3A_90 = arith.constant 0 : i32
        %dma_start3A_91 = tpu.memref_slice %arg6[%add3A_11, %dma_start3A_90] : memref<204800x128xf32, #tpu.memory_space<hbm>> -> memref<128x128xf32, #tpu.memory_space<hbm>>
        tpu.enqueue_dma source(%arg10 : memref<128x128xf32, #tpu.memory_space<vmem>>) target(%dma_start3A_91 : memref<128x128xf32, #tpu.memory_space<hbm>>) target_semaphore(%run_scoped3A : memref<!tpu.dma_semaphore, #tpu.memory_space<semaphore_mem>>)
        %dma_wait3A_92 = arith.constant 0 : i32
        %dma_wait3A_93 = tpu.memref_slice %arg6[%add3A_11, %dma_wait3A_92] : memref<204800x128xf32, #tpu.memory_space<hbm>> -> memref<128x128xf32, #tpu.memory_space<hbm>>
        %dma_wait3A_94 = arith.constant 0 : i32
        %dma_wait3A_95 = tpu.memref_slice %arg6[%add3A_11, %dma_wait3A_94] : memref<204800x128xf32, #tpu.memory_space<hbm>> -> memref<128x128xf32, #tpu.memory_space<hbm>>
        tpu.wait_dma2 semaphore(%run_scoped3A : memref<!tpu.dma_semaphore, #tpu.memory_space<semaphore_mem>>) src(%arg10 : memref<128x128xf32, #tpu.memory_space<vmem>>) dst(%dma_wait3A_95 : memref<128x128xf32, #tpu.memory_space<hbm>>)
        tpu.yield
      }) : () -> ()
      "tpu.region"() ({
        %run_scoped3A = tpu.sem_alloc : memref<!tpu.dma_semaphore, #tpu.memory_space<semaphore_mem>>
        %dma_start3A_88 = arith.constant 0 : i32
        %dma_start3A_89 = tpu.memref_slice %arg7[%add3A_11, %dma_start3A_88] : memref<204800x128xf32, #tpu.memory_space<hbm>> -> memref<128x128xf32, #tpu.memory_space<hbm>>
        %dma_start3A_90 = arith.constant 0 : i32
        %dma_start3A_91 = tpu.memref_slice %arg7[%add3A_11, %dma_start3A_90] : memref<204800x128xf32, #tpu.memory_space<hbm>> -> memref<128x128xf32, #tpu.memory_space<hbm>>
        tpu.enqueue_dma source(%arg12 : memref<128x128xf32, #tpu.memory_space<vmem>>) target(%dma_start3A_91 : memref<128x128xf32, #tpu.memory_space<hbm>>) target_semaphore(%run_scoped3A : memref<!tpu.dma_semaphore, #tpu.memory_space<semaphore_mem>>)
        %dma_wait3A_92 = arith.constant 0 : i32
        %dma_wait3A_93 = tpu.memref_slice %arg7[%add3A_11, %dma_wait3A_92] : memref<204800x128xf32, #tpu.memory_space<hbm>> -> memref<128x128xf32, #tpu.memory_space<hbm>>
        %dma_wait3A_94 = arith.constant 0 : i32
        %dma_wait3A_95 = tpu.memref_slice %arg7[%add3A_11, %dma_wait3A_94] : memref<204800x128xf32, #tpu.memory_space<hbm>> -> memref<128x128xf32, #tpu.memory_space<hbm>>
        tpu.wait_dma2 semaphore(%run_scoped3A : memref<!tpu.dma_semaphore, #tpu.memory_space<semaphore_mem>>) src(%arg12 : memref<128x128xf32, #tpu.memory_space<vmem>>) dst(%dma_wait3A_95 : memref<128x128xf32, #tpu.memory_space<hbm>>)
        tpu.yield
      }) : () -> ()
    }
    %scan3A_5 = arith.constant 50 : i32
    return
  }
}

</mosaic_0001>

<sc_bundles>
// kernel: _sc_gather.3.cloned.1.call-start
scs
__scs_entry_jumppad:
0x0: {  	(pc) =	sbr.rel $0x88, $3  }
0x1: {  	(tag) =	ssettag $0x0;
	lr =	simm.s32 $0x1  }
0x2: {  	[smem:$0x3F9D] =	sst lr;
	_ =	strace $0xD0000000  }
0x3: {  	_ = 	snop  }
0x4: {  	_ = 	snop  }
0x5: {  	_ = 	snop  }
0x6: {  	_ = 	snop  }
0x7: {  	_ = 	snop  }
__scs_overlays_trampoline_lowered:
0x8: {  	[smem:$0x3FAC] =	sst s0  }
0x9: {  	[smem:$0x3FAD] =	sst s1  }
0xa: {  	[smem:$0x3FAE] =	sst s2  }
0xb: {  	[smem:$0x3FAF] =	sst s3  }
0xc: {  	[smem:$0x3FB0] =	sst s4  }
0xd: {  	[smem:$0x3FB1] =	sst s5  }
0xe: {  	[smem:$0x3FB2] =	sst s6  }
0xf: {  	[smem:$0x3FB3] =	sst s7  }
0x10: {  	[smem:$0x3FB4] =	sst s8  }
0x11: {  	[smem:$0x3FB5] =	sst s9;
	s0 =	simm.s32 @!p0 $0x0  }
0x12: {  	s1 =	sld [smem:$0x3F9B];
	s0 =	simm.s32 @p0 $0x1  }
0x13: {  	[smem:$0x3FB6] =	sst s0;
	s0 =	simm.s32 @!p1 $0x0  }
0x14: {  	s2 =	sld [smem:$0x3F9A];
	s0 =	simm.s32 @p1 $0x1  }
0x15: {  	[smem:$0x3FB7] =	sst s0;
	s0 =	simm.s32 @!p2 $0x0  }
0x16: {  	s3 =	sld [smem:$0x3FDB];
	s0 =	simm.s32 @p2 $0x1  }
0x17: {  	s4 =	simm.s32 $0x1BF5;
	[smem:$0x3FB9] =	sst s0  }
0x18: {  	s0 =	sld [smem:$0x3F9C];
	_ =	swait.ge [sflag:s4], $0x0  }
0x19: {  	s7 =	sld [smem:$0x3F9D]  }
0x1a: {  	s8 =	sadd.s32 $0xFFFFE003, lr  }
0x1b: {  	s9 =	sadd.s32 $0xFFFFFEF7, lr;
	s5 =	simm.s32 $0xFFFFFFFF;
	p2 =	slt.u32 s8, $0xFFFFF086  }
0x1c: {  	p1 =	slt.u32 s9, $0xF7A;
	s5 =	simm.s32 @!p2 $0x0  }
0x1d: {  	s5 =	simm.s32 @p1 $0x1;
	p0 =	seq.s32 s7, s2  }
0x1e: {  	s7 =	smul.u32 @!p0 $0xF7A, s2;
	p2 =	seq.s32 @!p0 s5, $0x0  }
0x1f: {  	s9 =	smul.u32 $0xF7A, s1;
	s8 =	simm.s32 @!p0 $0x1BF5;
	p2 =	por !p2, p0  }
0x20: {  	[sflag:s8] =	ssyncset.s32 @!p0 $0xFFFFF086;
	s6 =	sadd.s32 @!p0 s3, s7;
	s7 =	simm.s32 @!p0 $0x108  }
0x21: {  	s3 =	sadd.s32 s3, s9;
	s6 =	sadd.s32 @!p0 $0x88, s6;
	s7 =	simm.s32 @p2 $0x1082  }
0x22: {  	[simem:s7], [sflag:s8] =	dma.local @!p0 [hbm:s6], $0xF7A  }
0x23: {  	s9 =	sor.u32 $0xD0000000, s2;
	s6 =	simm.s32 $0x108;
	_ =	swait.ge @!p0 [sflag:s8], $0x0  }
0x24: {  	s3 =	sadd.s32 $0x88, s3;
	s6 =	simm.s32 @!p1 $0x1082;
	[sflag:s4] =	ssyncset.s32 $0xFFFFF086  }
0x25: {  	[simem:s6], [sflag:s4] =	dma.local [hbm:s3], $0xF7A  }
0x26: {  	[smem:$0x3F9D] =	sst s1;
	(tag) =	ssettag s2;
	_ =	strace s9  }
0x27: {  	s1 =	sld [smem:$0x3FAD]  }
0x28: {  	s2 =	sld [smem:$0x3FAE]  }
0x29: {  	s4 =	sld [smem:$0x3FB0]  }
0x2a: {  	p0 =	seq.s32 s5, $0x0;
	s5 =	sld [smem:$0x3FB1]  }
0x2b: {  	s6 =	sld [smem:$0x3FB2]  }
0x2c: {  	s7 =	sld [smem:$0x3FB3]  }
0x2d: {  	s3 =	simm.s32 $0x108;
	s8 =	sld [smem:$0x3FB4]  }
0x2e: {  	s3 =	simm.s32 @!p0 $0x1082;
	s9 =	sld [smem:$0x3FB5]  }
0x2f: {  	lr =	sadd.s32 s0, s3;
	s0 =	sld [smem:$0x3FAC]  }
0x30: {  	s3 =	sld [smem:$0x3FAF]  }
0x31: {  	[smem:$0x3FB8] =	sst s10  }
0x32: {  	s10 =	sld [smem:$0x3FB6];
	_ =	sdelay $0x3  }
0x33: {  	p0 =	seq.s32 s10, $0x1;
	s10 =	sld [smem:$0x3FB8];
	_ =	sdelay $0x3  }
0x34: {  	[smem:$0x3FB8] =	sst s10  }
0x35: {  	s10 =	sld [smem:$0x3FB7];
	_ =	sdelay $0x3  }
0x36: {  	p1 =	seq.s32 s10, $0x1;
	s10 =	sld [smem:$0x3FB8];
	_ =	sdelay $0x3  }
0x37: {  	[smem:$0x3FB8] =	sst s10  }
0x38: {  	s10 =	sld [smem:$0x3FB9]  }
0x39: {  	_ = 	snop;
	(pc) =	sbr.ind lr, $3  }
0x3a: {  	_ = 	snop  }
0x3b: {  	_ = 	snop  }
0x3c: {  	p2 =	seq.s32 s10, $0x1;
	s10 =	sld [smem:$0x3FB8]  }
0x3d: {  	_ =	shalt  }
0x3e: {  	_ =	shalt  }
0x3f: {  	_ =	shalt  }
0x40: {  	_ =	shalt  }
0x41: {  	_ =	shalt  }
0x42: {  	_ =	shalt  }
0x43: {  	_ =	shalt  }
0x44: {  	_ =	shalt  }
0x45: {  	_ =	shalt  }
0x46: {  	_ =	shalt  }
0x47: {  	_ =	shalt  }
0x48: {  	_ =	shalt  }
0x49: {  	_ =	shalt  }
0x4a: {  	_ =	shalt  }
0x4b: {  	_ =	shalt  }
0x4c: {  	_ =	shalt  }
0x4d: {  	_ =	shalt  }
0x4e: {  	_ =	shalt  }
0x4f: {  	_ =	shalt  }
0x50: {  	_ =	shalt  }
0x51: {  	_ =	shalt  }
0x52: {  	_ =	shalt  }
0x53: {  	_ =	shalt  }
0x54: {  	_ =	shalt  }
0x55: {  	_ =	shalt  }
0x56: {  	_ =	shalt  }
0x57: {  	_ =	shalt  }
0x58: {  	_ =	shalt  }
0x59: {  	_ =	shalt  }
0x5a: {  	_ =	shalt  }
0x5b: {  	_ =	shalt  }
0x5c: {  	_ =	shalt  }
0x5d: {  	_ =	shalt  }
0x5e: {  	_ =	shalt  }
0x5f: {  	_ =	shalt  }
0x60: {  	_ =	shalt  }
0x61: {  	_ =	shalt  }
0x62: {  	_ =	shalt  }
0x63: {  	_ =	shalt  }
0x64: {  	_ =	shalt  }
0x65: {  	_ =	shalt  }
0x66: {  	_ =	shalt  }
0x67: {  	_ =	shalt  }
0x68: {  	_ =	shalt  }
0x69: {  	_ =	shalt  }
0x6a: {  	_ =	shalt  }
0x6b: {  	_ =	shalt  }
0x6c: {  	_ =	shalt  }
0x6d: {  	_ =	shalt  }
0x6e: {  	_ =	shalt  }
0x6f: {  	_ =	shalt  }
0x70: {  	_ =	shalt  }
0x71: {  	_ =	shalt  }
0x72: {  	_ =	shalt  }
0x73: {  	_ =	shalt  }
0x74: {  	_ =	shalt  }
0x75: {  	_ =	shalt  }
0x76: {  	_ =	shalt  }
0x77: {  	_ =	shalt  }
0x78: {  	_ =	shalt  }
0x79: {  	_ =	shalt  }
0x7a: {  	_ =	shalt  }
0x7b: {  	_ =	shalt  }
0x7c: {  	_ =	shalt  }
0x7d: {  	_ =	shalt  }
0x7e: {  	_ =	shalt  }
0x7f: {  	_ =	shalt  }
0x80: {  	_ =	shalt  }
0x81: {  	_ =	shalt  }
0x82: {  	_ =	shalt  }
0x83: {  	_ =	shalt  }
0x84: {  	_ =	shalt  }
0x85: {  	_ =	shalt  }
0x86: {  	_ =	shalt  }
0x87: {  	_ =	shalt  }
.Lfunc_end0:
.L_simem_size_0:
called_computation_lowered:
.L_overlay_start_0:
0x88: {  	s2 =	sld [smem:$0x3FD9]  }
0x89: {  	s3 =	sld [smem:$0x3FFE];
	_ =	sdelay $0x1  }
0x8a: {  	s1 =	srdreg.scid  }
0x8b: {  	s0 =	sand.u32 $0x1, s1  }
0x8c: {  	s15 =	sshll.u32 s0, $0xA;
	s2 =	sadd.s32 s3, s2  }
0x8d: {  	s2 =	sadd.s32 s2, s15  }
0x8e: {  	[smem:$0x3FC4] =	sst s2  }
0x8f: {  	_ = 	snop  }
0x90: {  	s2 =	sld [smem:$0x3FC9]  }
0x91: {  	s16 =	sld [smem:$0x3FD0]  }
0x92: {  	s4 =	sld [smem:$0x3FC8]  }
0x93: {  	s5 =	sld [smem:$0x3FC7]  }
0x94: {  	s7 =	simm.s32 $0xA;
	s8 =	simm.s32 $0x10;
	s6 =	sld [smem:$0x3FC6]  }
0x95: {  	[smem:s8], [sflag:s7] =	dma.local [hbm:s16], $0x1  }
0x96: {  	_ =	swait.eq [sflag:s7], $0x1  }
0x97: {  	[sflag:s7] =	ssyncset.done $0x0  }
0x98: {  	s17 =	sld [smem:$0x10];
	[sflag:s7] =	ssyncadd.s32 $0xFFFFFFFF  }
0x99: {  	s18 =	sld [smem:$0x11];
	(tm) =	ssettm $0x1  }
0x9a: {  	s19 =	sld [smem:$0x3FFB];
	_ =	sdelay $0x3  }
0x9b: {  	_ =	strace s19  }
0x9c: {  	s8 =	sld [smem:$0x3FFC];
	_ =	sdelay $0x3  }
0x9d: {  	_ =	strace s8  }
0x9e: {  	s8 =	sld [smem:$0x3FFD];
	_ =	sdelay $0x3  }
0x9f: {  	_ =	strace s8  }
0xa0: {  	_ =	strace $0x8FFFFFFF  }
0xa1: {  	s20 =	sld [smem:$0x3FDB];
	_ =	sdelay $0x1  }
0xa2: {  	s9 =	simm.s32 $_scs_section_size  }
0xa3: {  	s10 =	simm.s32 $_size__tile_overlayer_lowered;
	s11 =	simm.s32 $_tile_overlayer_lowered  }
0xa4: {  	s23 =	simm.s32 $0x1BFF;
	s22 =	sshll.u32 s11, $0x1;
	s8 =	sadd.s32 s9, s20  }
0xa5: {  	s12 =	simm.s32 $0x0;
	s21 =	sshll.u32 s10, $0x1;
	s10 =	sadd.s32 s22, s8  }
0xa6: {  	[timem:s12], [sflag:s23] =	dma.local [hbm:s10], s21  }
0xa7: {  	_ =	swait.ge [sflag:s23], s21  }
0xa8: {  	s9 =	ssub.s32 $0x0, s21;
	[sflag:s23] =	ssyncset.done $0x0  }
0xa9: {  	[sflag:s23] =	ssyncadd.s32 s9;
	_ =	sdelay $0x1  }
0xaa: {  	s24 =	simm.s32 $0x1B8B  }
0xab: {  	_ =	swait.ge [sflag:s24], $0x1  }
0xac: {  	[sflag:s24] =	ssyncset.done $0x0  }
0xad: {  	s25 =	simm.s32 $0x1B8E;
	[sflag:s24] =	ssyncadd.s32 $0xFFFFFFFF  }
0xae: {  	s26 =	simm.s32 $execute0_lowered;
	[smem:$0x3FD2] =	sst s25  }
0xaf: {  	s9 =	sshll.u32 s26, $0x1;
	_ =	strace $0x80000046;
	[dreg:$0x1] =	wrdreg $0xFFFFFFFF  }
0xb0: {  	s28 =	simm.s32 $_size_execute0_lowered;
	s8 =	sadd.s32 s8, s9;
	[dreg:$0x0] =	wrdreg $0x0  }
0xb1: {  	s9 =	sshll.u32 s28, $0x1;
	[dreg:$0x2] =	wrdreg s8  }
0xb2: {  	[dreg:$0x3] =	wrdreg s9  }
0xb3: {  	[dreg:$0x4] =	wrdreg $0xC0  }
0xb4: {  	_ =	task [dreg:s12], $0x5FFFF  }
0xb5: {  	[dreg:$0x1] =	wrdreg $0xFFFFFFFF  }
0xb6: {  	[dreg:$0x0] =	wrdreg $0x60  }
0xb7: {  	[dreg:$0x2] =	wrdreg s2  }
0xb8: {  	[dreg:$0x3] =	wrdreg s4  }
0xb9: {  	[dreg:$0x4] =	wrdreg s5  }
0xba: {  	[dreg:$0x5] =	wrdreg s6  }
0xbb: {  	[dreg:$0x6] =	wrdreg s17  }
0xbc: {  	[dreg:$0x7] =	wrdreg s18  }
0xbd: {  	[dreg:$0x8] =	wrdreg $0x9  }
0xbe: {  	_ =	task.clear_ibuf [dreg:s12], $0x9FFFF;
	_ =	strace $0x90000046  }
0xbf: {  	s29 =	simm.s32 $0x9;
	_ =	strace $0x80000048  }
0xc0: {  	_ =	swait.ge [sflag:s29], $0x1  }
0xc1: {  	[sflag:s29] =	ssyncadd.s32 $0xFFFFFFFF  }
0xc2: {  	_ =	strace $0x90000048  }
0xc3: {  	_ =	sfence  }
0xc4: {  	s30 =	sld [smem:$0x0];
	_ =	sdelay $0x2  }
0xc5: {  	s31 =	sshll.u32 s1, $0xD;
	s1 =	sshrl.u32 s1, $0x2  }
0xc6: {  	s3 =	sand.u32 $0x4000, s31;
	s1 =	sadd.s32 s1, s30  }
0xc7: {  	s0 =	sor.u32 s3, s0;
	s1 =	sshll.u32 s1, $0x11  }
0xc8: {  	s0 =	sor.u32 s1, s0  }
0xc9: {  	s0 =	sadd.s32 $0x8F2B, s0  }
0xca: {  	[sflag:s0] =	ssyncadd.remote.s32 $0x1  }
0xcb: {  	_ =	sfence.sel $0xFFFF  }
0xcc: {  	[dreg:$0x0] =	wrdreg $0xFFFFFFFF;
	(pc) =	sbr.abs _section_cstart, $3  }
0xcd: {  	[dreg:$0x1] =	wrdreg $0xFFFFFFFF  }
0xce: {  	_ =	task.clear_ibuf [dreg:s12], $0x2FFFF;
	_ =	strace $0x9FFFFFFF  }
0xcf: {  	(tm) =	ssettm $0x7FFFFFFF  }
tec
execute0_lowered:
.L_overlay_start_1:
0x0: {  	(tag) =	ssettag $0x1  }
0x1: {  	s0 =	rddreg [dreg:$0x0]  }
0x2: {  	s2 =	rddreg [dreg:$0x1]  }
0x3: {  	s3 =	rddreg [dreg:$0x2]  }
0x4: {  	s4 =	rddreg [dreg:$0x3]  }
0x5: {  	s5 =	rddreg [dreg:$0x4]  }
0x6: {  	s6 =	rddreg [dreg:$0x5]  }
0x7: {  	s7 =	srdreg.scid;
	s1 =	rddreg [dreg:$0x6];
	s8 =	simm.s32 $0x0  }
0x8: {  	s13 =	simm.s32 $0x280;
	s14 =	simm.s32 $0x1;
	s15 =	simm.s32 $0x4280  }
0x9: {  	s16 =	simm.s32 $0x100;
	s17 =	simm.s32 $0x8280;
	s18 =	simm.s32 $0x180  }
0xa: {  	s19 =	simm.s32 $0xC280;
	s20 =	simm.s32 $0x200;
	s21 =	simm.s32 $0x10280  }
0xb: {  	s22 =	simm.s32 $0x14280;
	s23 =	simm.s32 $0x0;
	s9 =	sand.u32 $0x1, s7  }
0xc: {  	s7 =	stileid.u32;
	[smem:$0x7FF] =	sst s8;
	s10 =	ssub.s32 $0x2, s9  }
0xd: {  	s12 =	sshll.u32 s7, $0x1;
	_ =	strace $0x80000047;
	s11 =	sshrl.u32 s10, $0x1  }
0xe: {  	s9 =	sor.u32 s9, s12;
	s12 =	simm.s32 $0x80;
	s10 =	ssub.s32 s10, s11  }
0xf: {  	s9 =	smul.u32 $0x1900, s9;
	s11 =	simm.s32 $0x2;
	s10 =	smax.u32 s10, $0x1  }
.LBB2_1:
0x10: {  	s24 =	simm.s32 $0x0  }
.LBB2_2:
0x11: {  	s25 =	sshll.u32 s24, $0x7  }
0x12: {  	s25 =	sadd.s32 s9, s25  }
0x13: {  	s26 =	sshrl.u32 s25, $0x3  }
0x14: {  	s28 =	simm.s32 $0x0;
	s26 =	sadd.s32 s0, s26  }
0x15: {  	[tilespmem:s28], [sflag:$0x2] =	stream.linear.gather [hbm4b:s26+s28], $0x80, $0x38;
	[tilespmem:$0x18280] =	vst v63  }
0x16: {  	_ =	swait.ge [sflag:s11], $0x80  }
0x17: {  	s31 =	sshrl.u32 s25, $0x1;
	[sflag:s11] =	ssyncset.done $0x0  }
0x18: {  	s26 =	sadd.s32 s2, s31;
	[sflag:s11] =	ssyncadd.s32 $0xFFFFFF80  }
0x19: {  	[tilespmem:s12], [sflag:$0x2] =	stream.linear.gather [hbm4b:s26+s28], $0x200, $0x38;
	[tilespmem:$0x18280] =	vst v63  }
0x1a: {  	_ =	swait.ge [sflag:s11], $0x200  }
0x1b: {  	[sflag:s11] =	ssyncset.done $0x0  }
0x1c: {  	[sflag:s11] =	ssyncadd.s32 $0xFFFFFE00  }
0x1d: {  	[tilespmem:s13], [sflag:$0x1] =	stream.indirect.gather [hbm4b:s3+s12], $0x80, s28, s12, $0xb8;
	[tilespmem:$0x18280] =	vst v63  }
0x1e: {  	_ =	swait.ge [sflag:s14], $0x4000  }
0x1f: {  	[sflag:s14] =	ssyncset.done $0x0  }
0x20: {  	[sflag:s14] =	ssyncadd.s32 $0xFFFFC000  }
0x21: {  	[tilespmem:s15], [sflag:$0x1] =	stream.indirect.gather [hbm4b:s4+s12], $0x80, s12, s12, $0xb8;
	[tilespmem:$0x18280] =	vst v63  }
0x22: {  	_ =	swait.ge [sflag:s14], $0x4000  }
0x23: {  	[sflag:s14] =	ssyncset.done $0x0  }
0x24: {  	[sflag:s14] =	ssyncadd.s32 $0xFFFFC000  }
0x25: {  	[tilespmem:s17], [sflag:$0x1] =	stream.indirect.gather [hbm4b:s4+s12], $0x80, s16, s12, $0xb8;
	[tilespmem:$0x18280] =	vst v63  }
0x26: {  	_ =	swait.ge [sflag:s14], $0x4000  }
0x27: {  	[sflag:s14] =	ssyncset.done $0x0  }
0x28: {  	[sflag:s14] =	ssyncadd.s32 $0xFFFFC000  }
0x29: {  	[tilespmem:s19], [sflag:$0x1] =	stream.indirect.gather [hbm4b:s4+s12], $0x80, s18, s12, $0xb8;
	[tilespmem:$0x18280] =	vst v63  }
0x2a: {  	_ =	swait.ge [sflag:s14], $0x4000  }
0x2b: {  	[sflag:s14] =	ssyncset.done $0x0  }
0x2c: {  	[sflag:s14] =	ssyncadd.s32 $0xFFFFC000  }
0x2d: {  	[tilespmem:s21], [sflag:$0x1] =	stream.indirect.gather [hbm4b:s4+s12], $0x80, s20, s12, $0xb8;
	[tilespmem:$0x18280] =	vst v63  }
0x2e: {  	_ =	swait.ge [sflag:s14], $0x4000  }
0x2f: {  	[sflag:s14] =	ssyncset.done $0x0  }
0x30: {  	s26 =	simm.s32 $0x4380;
	[sflag:s14] =	ssyncadd.s32 $0xFFFFC000  }
0x31: {  	v0 =	vld [tilespmem:s26+$0xFFFFFF80]  }
0x32: {  	v1 =	vld [tilespmem:s26+$0xFFFFFF00];
	_ =	sdelay $0x1  }
0x33: {  	v2 =	vld [tilespmem:s26+$0x0];
	_ =	sdelay $0x1  }
0x34: {  	v3 =	vld [tilespmem:s26+$0x80]  }
0x35: {  	v0 =	vadd.f32 v0, v1;
	_ =	sdelay $0x1  }
0x36: {  	v0 =	vadd.f32 v2, v0;
	_ =	sdelay $0x1  }
0x37: {  	v0 =	vadd.f32 v3, v0;
	_ =	sdelay $0x1  }
0x38: {  	v0 =	vmul.f32 $2.500000000e-01, v0  }
0x39: {  	s28 =	simm.s32 $0x0  }
0x3a: {  	[tilespmem:s28+$0x14280] =	vst v0  }
0x3b: {  	v0 =	vld [tilespmem:s26+$0xFFFFFF10]  }
0x3c: {  	v1 =	vld [tilespmem:s26+$0xFFFFFF90];
	_ =	sdelay $0x1  }
0x3d: {  	v2 =	vld [tilespmem:s26+$0x10];
	_ =	sdelay $0x1  }
0x3e: {  	v3 =	vld [tilespmem:s26+$0x90]  }
0x3f: {  	v0 =	vadd.f32 v1, v0;
	_ =	sdelay $0x1  }
0x40: {  	v0 =	vadd.f32 v2, v0;
	_ =	sdelay $0x1  }
0x41: {  	v0 =	vadd.f32 v3, v0;
	_ =	sdelay $0x1  }
0x42: {  	v0 =	vmul.f32 $2.500000000e-01, v0;
	_ =	sdelay $0x1  }
0x43: {  	[tilespmem:s28+$0x14290] =	vst v0  }
0x44: {  	v0 =	vld [tilespmem:s26+$0xFFFFFF20]  }
0x45: {  	v1 =	vld [tilespmem:s26+$0xFFFFFFA0];
	_ =	sdelay $0x1  }
0x46: {  	v2 =	vld [tilespmem:s26+$0x20];
	_ =	sdelay $0x1  }
0x47: {  	v3 =	vld [tilespmem:s26+$0xA0]  }
0x48: {  	v0 =	vadd.f32 v1, v0;
	_ =	sdelay $0x1  }
0x49: {  	v0 =	vadd.f32 v2, v0;
	_ =	sdelay $0x1  }
0x4a: {  	v0 =	vadd.f32 v3, v0;
	_ =	sdelay $0x1  }
0x4b: {  	v0 =	vmul.f32 $2.500000000e-01, v0;
	_ =	sdelay $0x1  }
0x4c: {  	[tilespmem:s28+$0x142A0] =	vst v0  }
0x4d: {  	v0 =	vld [tilespmem:s26+$0xFFFFFF30]  }
0x4e: {  	v1 =	vld [tilespmem:s26+$0xFFFFFFB0];
	_ =	sdelay $0x1  }
0x4f: {  	v2 =	vld [tilespmem:s26+$0x30];
	_ =	sdelay $0x1  }
0x50: {  	v3 =	vld [tilespmem:s26+$0xB0]  }
0x51: {  	v0 =	vadd.f32 v1, v0;
	_ =	sdelay $0x1  }
0x52: {  	v0 =	vadd.f32 v2, v0;
	_ =	sdelay $0x1  }
0x53: {  	v0 =	vadd.f32 v3, v0;
	_ =	sdelay $0x1  }
0x54: {  	v0 =	vmul.f32 $2.500000000e-01, v0;
	_ =	sdelay $0x1  }
0x55: {  	[tilespmem:s28+$0x142B0] =	vst v0  }
0x56: {  	v0 =	vld [tilespmem:s26+$0xFFFFFF40]  }
0x57: {  	v1 =	vld [tilespmem:s26+$0xFFFFFFC0];
	_ =	sdelay $0x1  }
0x58: {  	v2 =	vld [tilespmem:s26+$0x40];
	_ =	sdelay $0x1  }
0x59: {  	v3 =	vld [tilespmem:s26+$0xC0]  }
0x5a: {  	v0 =	vadd.f32 v1, v0;
	_ =	sdelay $0x1  }
0x5b: {  	v0 =	vadd.f32 v2, v0;
	_ =	sdelay $0x1  }
0x5c: {  	v0 =	vadd.f32 v3, v0;
	_ =	sdelay $0x1  }
0x5d: {  	v0 =	vmul.f32 $2.500000000e-01, v0;
	_ =	sdelay $0x1  }
0x5e: {  	[tilespmem:s28+$0x142C0] =	vst v0  }
0x5f: {  	v0 =	vld [tilespmem:s26+$0xFFFFFF50]  }
0x60: {  	v1 =	vld [tilespmem:s26+$0xFFFFFFD0];
	_ =	sdelay $0x1  }
0x61: {  	v2 =	vld [tilespmem:s26+$0x50];
	_ =	sdelay $0x1  }
0x62: {  	v3 =	vld [tilespmem:s26+$0xD0]  }
0x63: {  	v0 =	vadd.f32 v1, v0;
	_ =	sdelay $0x1  }
0x64: {  	v0 =	vadd.f32 v2, v0;
	_ =	sdelay $0x1  }
0x65: {  	v0 =	vadd.f32 v3, v0;
	_ =	sdelay $0x1  }
0x66: {  	v0 =	vmul.f32 $2.500000000e-01, v0;
	_ =	sdelay $0x1  }
0x67: {  	[tilespmem:s28+$0x142D0] =	vst v0  }
0x68: {  	v0 =	vld [tilespmem:s26+$0xFFFFFF60]  }
0x69: {  	v1 =	vld [tilespmem:s26+$0xFFFFFFE0];
	_ =	sdelay $0x1  }
0x6a: {  	v2 =	vld [tilespmem:s26+$0x60];
	_ =	sdelay $0x1  }
0x6b: {  	v3 =	vld [tilespmem:s26+$0xE0]  }
0x6c: {  	v0 =	vadd.f32 v1, v0;
	_ =	sdelay $0x1  }
0x6d: {  	v0 =	vadd.f32 v2, v0;
	_ =	sdelay $0x1  }
0x6e: {  	v0 =	vadd.f32 v3, v0;
	_ =	sdelay $0x1  }
0x6f: {  	v0 =	vmul.f32 $2.500000000e-01, v0;
	_ =	sdelay $0x1  }
0x70: {  	[tilespmem:s28+$0x142E0] =	vst v0  }
0x71: {  	v2 =	vld [tilespmem:s26+$0xFFFFFF70]  }
0x72: {  	v3 =	vld [tilespmem:s26+$0xFFFFFFF0]  }
0x73: {  	v0 =	vld [tilespmem:s26+$0x70]  }
0x74: {  	s29 =	simm.s32 $0x200;
	v1 =	vld [tilespmem:s26+$0xF0]  }
.LBB2_3:
0x75: {  	_ = 	snop  }
0x76: {  	p0 =	sne.s32 s29, $0xFE00  }
0x77: {  	s26 =	sadd.s32 $0x200, s26;
	s30 =	smov.u32 s29;
	s29 =	sadd.s32 $0x200, s29;
	v2 =	vadd.f32 v3, v2  }
0x78: {  	_ = 	snop  }
0x79: {  	v0 =	vadd.f32 v0, v2;
	_ =	sdelay $0x1  }
0x7a: {  	v0 =	vadd.f32 v1, v0;
	_ =	sdelay $0x1  }
0x7b: {  	v0 =	vmul.f32 $2.500000000e-01, v0;
	_ =	sdelay $0x1  }
0x7c: {  	[tilespmem:s28+$0x142F0] =	vst v0  }
0x7d: {  	v0 =	vld [tilespmem:s26+$0xFFFFFF80]  }
0x7e: {  	v1 =	vld [tilespmem:s26+$0xFFFFFF00]  }
0x7f: {  	v2 =	vld [tilespmem:s26+$0x0];
	_ =	sdelay $0x2  }
0x80: {  	v3 =	vld [tilespmem:s26+$0x80]  }
0x81: {  	v0 =	vadd.f32 v0, v1;
	_ =	sdelay $0x1  }
0x82: {  	v0 =	vadd.f32 v2, v0;
	_ =	sdelay $0x1  }
0x83: {  	v0 =	vadd.f32 v3, v0;
	_ =	sdelay $0x1  }
0x84: {  	v0 =	vmul.f32 $2.500000000e-01, v0  }
0x85: {  	s28 =	sshra.s32 s30, $0x2  }
0x86: {  	[tilespmem:s28+$0x14280] =	vst v0  }
0x87: {  	v0 =	vld [tilespmem:s26+$0xFFFFFF10]  }
0x88: {  	v1 =	vld [tilespmem:s26+$0xFFFFFF90];
	_ =	sdelay $0x1  }
0x89: {  	v2 =	vld [tilespmem:s26+$0x10];
	_ =	sdelay $0x1  }
0x8a: {  	v3 =	vld [tilespmem:s26+$0x90]  }
0x8b: {  	v0 =	vadd.f32 v1, v0;
	_ =	sdelay $0x1  }
0x8c: {  	v0 =	vadd.f32 v2, v0;
	_ =	sdelay $0x1  }
0x8d: {  	v0 =	vadd.f32 v3, v0;
	_ =	sdelay $0x1  }
0x8e: {  	v0 =	vmul.f32 $2.500000000e-01, v0;
	_ =	sdelay $0x1  }
0x8f: {  	[tilespmem:s28+$0x14290] =	vst v0  }
0x90: {  	v0 =	vld [tilespmem:s26+$0xFFFFFF20]  }
0x91: {  	v1 =	vld [tilespmem:s26+$0xFFFFFFA0];
	_ =	sdelay $0x1  }
0x92: {  	v2 =	vld [tilespmem:s26+$0x20];
	_ =	sdelay $0x1  }
0x93: {  	v3 =	vld [tilespmem:s26+$0xA0]  }
0x94: {  	v0 =	vadd.f32 v1, v0;
	_ =	sdelay $0x1  }
0x95: {  	v0 =	vadd.f32 v2, v0;
	_ =	sdelay $0x1  }
0x96: {  	v0 =	vadd.f32 v3, v0;
	_ =	sdelay $0x1  }
0x97: {  	v0 =	vmul.f32 $2.500000000e-01, v0;
	_ =	sdelay $0x1  }
0x98: {  	[tilespmem:s28+$0x142A0] =	vst v0  }
0x99: {  	v0 =	vld [tilespmem:s26+$0xFFFFFF30]  }
0x9a: {  	v1 =	vld [tilespmem:s26+$0xFFFFFFB0];
	_ =	sdelay $0x1  }
0x9b: {  	v2 =	vld [tilespmem:s26+$0x30];
	_ =	sdelay $0x1  }
0x9c: {  	v3 =	vld [tilespmem:s26+$0xB0]  }
0x9d: {  	v0 =	vadd.f32 v1, v0;
	_ =	sdelay $0x1  }
0x9e: {  	v0 =	vadd.f32 v2, v0;
	_ =	sdelay $0x1  }
0x9f: {  	v0 =	vadd.f32 v3, v0;
	_ =	sdelay $0x1  }
0xa0: {  	v0 =	vmul.f32 $2.500000000e-01, v0;
	_ =	sdelay $0x1  }
0xa1: {  	[tilespmem:s28+$0x142B0] =	vst v0  }
0xa2: {  	v0 =	vld [tilespmem:s26+$0xFFFFFF40]  }
0xa3: {  	v1 =	vld [tilespmem:s26+$0xFFFFFFC0];
	_ =	sdelay $0x1  }
0xa4: {  	v2 =	vld [tilespmem:s26+$0x40];
	_ =	sdelay $0x1  }
0xa5: {  	v3 =	vld [tilespmem:s26+$0xC0]  }
0xa6: {  	v0 =	vadd.f32 v1, v0;
	_ =	sdelay $0x1  }
0xa7: {  	v0 =	vadd.f32 v2, v0;
	_ =	sdelay $0x1  }
0xa8: {  	v0 =	vadd.f32 v3, v0;
	_ =	sdelay $0x1  }
0xa9: {  	v0 =	vmul.f32 $2.500000000e-01, v0;
	_ =	sdelay $0x1  }
0xaa: {  	[tilespmem:s28+$0x142C0] =	vst v0  }
0xab: {  	v0 =	vld [tilespmem:s26+$0xFFFFFF50]  }
0xac: {  	v1 =	vld [tilespmem:s26+$0xFFFFFFD0]  }
0xad: {  	v2 =	vld [tilespmem:s26+$0x50]  }
0xae: {  	v3 =	vld [tilespmem:s26+$0xD0];
	_ =	sdelay $0x2  }
0xaf: {  	v0 =	vadd.f32 v1, v0;
	_ =	sdelay $0x1  }
0xb0: {  	v0 =	vadd.f32 v2, v0;
	_ =	sdelay $0x1  }
0xb1: {  	v0 =	vadd.f32 v3, v0;
	_ =	sdelay $0x1  }
0xb2: {  	v0 =	vmul.f32 $2.500000000e-01, v0;
	_ =	sdelay $0x1  }
0xb3: {  	[tilespmem:s28+$0x142D0] =	vst v0  }
0xb4: {  	v0 =	vld [tilespmem:s26+$0xFFFFFF60]  }
0xb5: {  	v1 =	vld [tilespmem:s26+$0xFFFFFFE0]  }
0xb6: {  	v2 =	vld [tilespmem:s26+$0x60]  }
0xb7: {  	v3 =	vld [tilespmem:s26+$0xE0];
	_ =	sdelay $0x2  }
0xb8: {  	v0 =	vadd.f32 v1, v0;
	_ =	sdelay $0x1  }
0xb9: {  	v0 =	vadd.f32 v2, v0;
	_ =	sdelay $0x1  }
0xba: {  	v0 =	vadd.f32 v3, v0;
	_ =	sdelay $0x1  }
0xbb: {  	v0 =	vmul.f32 $2.500000000e-01, v0;
	_ =	sdelay $0x1  }
.Ltmp0:
0xbc: {  	[tilespmem:s28+$0x142E0] =	vst v0;
	(pc) =	sbr.rel @p0 .LBB2_3-.Ltmp0, $4  }
0xbd: {  	v2 =	vld [tilespmem:s26+$0xFFFFFF70]  }
0xbe: {  	v3 =	vld [tilespmem:s26+$0xFFFFFFF0]  }
0xbf: {  	v0 =	vld [tilespmem:s26+$0x70]  }
0xc0: {  	v1 =	vld [tilespmem:s26+$0xF0]  }
0xc1: {  	_ =	sdelay $0x1  }
0xc2: {  	v2 =	vadd.f32 v3, v2;
	_ =	sdelay $0x1  }
0xc3: {  	v0 =	vadd.f32 v0, v2;
	_ =	sdelay $0x1  }
0xc4: {  	v0 =	vadd.f32 v1, v0;
	_ =	sdelay $0x1  }
0xc5: {  	v0 =	vmul.f32 $2.500000000e-01, v0  }
0xc6: {  	s25 =	sshll.u32 s25, $0x4  }
0xc7: {  	s26 =	sadd.s32 s5, s25;
	[tilespmem:s28+$0x142F0] =	vst v0  }
0xc8: {  	[hbm4b:s26+s8] =	stream.linear.scatter [tilespmem:s13], [sflag:$0x2], $0x4000, $0x38;
	[tilespmem:$0x18280] =	vst v63  }
0xc9: {  	s24 =	sadd.s32 $0x1, s24;
	_ =	swait.ge [sflag:s11], $0x4000  }
0xca: {  	p0 =	sne.s32 s24, $0x32;
	[sflag:s11] =	ssyncset.done $0x0  }
.Ltmp1:
0xcb: {  	s25 =	sadd.s32 s6, s25;
	[sflag:s11] =	ssyncadd.s32 $0xFFFFC000;
	(pc) =	sbr.rel @p0 .LBB2_2-.Ltmp1, $4  }
0xcc: {  	[hbm4b:s25+s8] =	stream.linear.scatter [tilespmem:s22], [sflag:$0x2], $0x4000, $0x38;
	[tilespmem:$0x18280] =	vst v63  }
0xcd: {  	_ =	swait.ge [sflag:s11], $0x4000  }
0xce: {  	[sflag:s11] =	ssyncset.done $0x0  }
0xcf: {  	[sflag:s11] =	ssyncadd.s32 $0xFFFFC000  }
0xd0: {  	s23 =	sadd.s32 $0x1, s23  }
0xd1: {  	p0 =	sne.s32 s23, s10  }
.Ltmp2:
0xd2: {  	_ = 	snop;
	(pc) =	sbr.rel @p0 .LBB2_1-.Ltmp2, $1  }
0xd3: {  	_ =	sdelay $0x3  }
0xd4: {  	_ =	sfence.sel $0x180000  }
0xd5: {  	[bflag:$0x0] =	sbarrier.arrive $0xFFFF  }
0xd6: {  	p0 =	sne.s32 s7, $0x0;
	_ =	strace $0x90000047  }
0xd7: {  	s0 =	sadd.s32 @!p0 $0x100000, s1;
	[bflag:$0x2] =	sbarrier.arrive $0xFFFF  }
0xd8: {  	[sflag:s0] =	ssyncadd.tile.s32 @!p0 $0x1;
	_ =	shalt  }
.Lfunc_end2:
_tile_overlayer_lowered:
.L_overlay_start_2:
0xd9: {  	(tag) =	ssettag $0x2  }
0xda: {  	s0 =	rddreg [dreg:$0x0];
	s2 =	stileid.u32  }
0xdb: {  	s1 =	rddreg [dreg:$0x1];
	p0 =	sne.s32 s2, $0x0  }
0xdc: {  	s3 =	rddreg [dreg:$0x2];
	[bflag:$0x3] =	sbarrier.arrive $0xFFFF;
	s2 =	simm.s32 @!p0 $0x1C02  }
0xdd: {  	[timem:s3], [sflag:s2] =	dma.local @!p0 [hbm:s0], s1  }
0xde: {  	s0 =	simm.s32 @!p0 $0x2  }
0xdf: {  	_ =	swait.ge @!p0 [sflag:s0], s1  }
0xe0: {  	s1 =	ssub.s32 @!p0 $0x0, s1;
	[sflag:s0] =	ssyncset.done @!p0 $0x0  }
0xe1: {  	[sflag:s0] =	ssyncadd.s32 @!p0 s1  }
0xe2: {  	[bflag:$0x3] =	sbarrier.arrive $0xFFFF  }
0xe3: {  	_ =	shalt  }

</sc_bundles>
